<compile_context>
chip_gen: v7x
topology: tpu7x:2x2x1
jax: 0.10.2.dev20260603
libtpu: 0.0.44.dev20260713+nightly
codegen_flags: <defaults>
</compile_context>

<pallas_src>
import functools

import jax
import jax.numpy as jnp
from jax import lax
from jax.experimental import pallas as pl
from jax.experimental.pallas import tpu as pltpu
from jax.experimental.pallas import tpu_sc as plsc

N_HIGH = 10000
D_FEAT = 256
N_OUT = 150000

NC = 2
NS = 16
NW = NC * NS

PW = 4736
STRIDE = 4688
CHUNK = 128
NCHUNK = PW // CHUNK
NVEC = PW // 16
NREPV = N_HIGH // 16
SEARCH_BITS = 14


def _sc_body(x_hbm, rep_hbm, align_hbm, out_hbm,
             rep_v, cum_v, align_v, idx_v, rows_a, rows_b, sem_a, sem_b):
    wid = lax.axis_index("s") * NC + lax.axis_index("c")
    base = pl.multiple_of(jnp.minimum(wid * STRIDE, N_OUT - PW), 16)

    pltpu.sync_copy(rep_hbm, rep_v)
    pltpu.sync_copy(align_hbm.at[pl.ds(base, PW)], align_v)

    def scan_body(k, carry):
        v = rep_v[pl.ds(k * 16, 16)]
        cum_v[pl.ds(k * 16, 16)] = plsc.cumsum(v) + carry
        return carry + jnp.sum(v)

    total = lax.fori_loop(0, NREPV, scan_body, jnp.int32(0))

    def search_body(i, _):
        av = align_v[pl.ds(i * 16, 16)]
        pos = jnp.minimum(jnp.maximum(av, 0), total - 1)
        res = jnp.zeros((16,), jnp.int32)
        for b in range(SEARCH_BITS - 1, -1, -1):
            cand = res + (1 << b)
            cval = plsc.load_gather(cum_v, [jnp.minimum(cand - 1, N_HIGH - 1)])
            take = jnp.logical_and(cand <= N_HIGH, cval <= pos)
            res = jnp.where(take, cand, res)
        idx_v[pl.ds(i * 16, 16)] = res
        return 0

    lax.fori_loop(0, NVEC, search_body, 0)

    def gather_start(c, rows, sem):
        off = pl.multiple_of(c * CHUNK, CHUNK)
        return pltpu.async_copy(x_hbm.at[idx_v.at[pl.ds(off, CHUNK)]], rows, sem)

    def write_out(c, rows):
        off = pl.multiple_of(c * CHUNK, CHUNK)
        pltpu.sync_copy(rows, out_hbm.at[pl.ds(base + off, CHUNK)])

    gather_start(0, rows_a, sem_a).wait()

    def dma_body(c, _):
        nxt = jnp.minimum(c + 1, NCHUNK - 1)
        cp_b = gather_start(nxt, rows_b, sem_b)
        write_out(c, rows_a)
        cp_b.wait()
        nxt2 = jnp.minimum(c + 2, NCHUNK - 1)
        cp_a = gather_start(nxt2, rows_a, sem_a)
        write_out(nxt, rows_b)
        cp_a.wait()
        return 0

    lax.fori_loop(0, (NCHUNK + 1) // 2, lambda p, s: dma_body(p * 2, s), 0)


_mesh = plsc.VectorSubcoreMesh(core_axis_name="c", subcore_axis_name="s")

_sc_kernel = functools.partial(
    pl.kernel,
    out_type=jax.ShapeDtypeStruct((N_OUT, D_FEAT), jnp.float32),
    mesh=_mesh,
    scratch_types=[
        pltpu.VMEM((N_HIGH,), jnp.int32),
        pltpu.VMEM((N_HIGH,), jnp.int32),
        pltpu.VMEM((PW,), jnp.int32),
        pltpu.VMEM((PW,), jnp.int32),
        pltpu.VMEM((CHUNK, D_FEAT), jnp.float32),
        pltpu.VMEM((CHUNK, D_FEAT), jnp.float32),
        pltpu.SemaphoreType.DMA,
        pltpu.SemaphoreType.DMA,
    ],
    compiler_params=pltpu.CompilerParams(needs_layout_passes=False),
)(_sc_body)


@jax.jit
def kernel(x_2, cells_low_repeats_1_2, cells_high_feature_alignment_subcomplex_1_2):
    repeats = cells_low_repeats_1_2.reshape(-1).astype(jnp.int32)
    align = cells_high_feature_alignment_subcomplex_1_2.astype(jnp.int32)
    return _sc_kernel(x_2, repeats, align)

# --- scband reference (transcript-rebuilt; emitter-appended) ---
"""Pipeline reference for scband-sub-complex-broadcast-high-6227702579784 (READ-ONLY COPY).

The authoritative reference and input builder live on the scoring server;
editing this copy changes nothing except your own understanding.
"""

import jax, jax.numpy as jnp
import numpy as np

N_HIGH = 10000
D_FEAT = 256
MAX_REPEAT = 32
N_OUT = 150000


def setup_inputs(seed: int = 0) -> dict:
    key = jax.random.key(seed)
    k1, k2, k3 = jax.random.split(key, 3)
    x_2 = jax.random.normal(k1, (N_HIGH, D_FEAT), dtype=jnp.float32)
    # repeats per high-rank cell; sum ~= N_HIGH * (MAX_REPEAT-1)/2 ~= 155k >> N_OUT
    repeats = jax.random.randint(k2, (N_HIGH,), 0, MAX_REPEAT, dtype=jnp.int32)
    # alignment indices into the repeated feature rows (values < sum(repeats) w.h.p.;
    # jnp.take clips out-of-range anyway)
    align = jax.random.randint(k3, (N_OUT,), 0, N_OUT, dtype=jnp.int32)
    return {
        "x_2": x_2,
        "cells_low_repeats_1_2": repeats,
        "cells_high_feature_alignment_subcomplex_1_2": align,
    }


def reference(x_2, cells_low_repeats_1_2, cells_high_feature_alignment_subcomplex_1_2):
    # torch.repeat_interleave(x, repeats, dim=0) == gather with repeated row indices;
    # the repeated row at position p is the smallest i with cumsum(repeats)[i] > p,
    # and jnp.take's clip mode bounds positions into [0, sum(repeats) - 1].
    repeats = cells_low_repeats_1_2.reshape(-1)
    cum = jnp.cumsum(repeats)
    total = cum[-1]
    pos = jnp.clip(cells_high_feature_alignment_subcomplex_1_2, 0, total - 1)
    rep_idx = jnp.searchsorted(cum, pos, side="right")
    x_repeated = jnp.take(x_2, rep_idx, axis=0)
    return x_repeated

if __name__ == "__main__":
    import jax
    _d = setup_inputs()
    print(jax.jit(kernel)(*tuple(_d.values())))

</pallas_src>

<mosaic_0001>
#map = affine_map<(d0, d1) -> (0, 0)>
#map1 = affine_map<(d0, d1) -> (0)>
module attributes {stable_mosaic.version = 14 : i64} {
  func.func @_sc_body(%arg0: i32, %arg1: i32, %arg2: memref<10000x256xf32, #tpu.memory_space<hbm>>, %arg3: memref<10000xi32, #tpu.memory_space<hbm>>, %arg4: memref<150000xi32, #tpu.memory_space<hbm>>, %arg5: memref<150000x256xf32, #tpu.memory_space<hbm>>, %arg6: memref<10000xi32, #tpu.memory_space<vmem>>, %arg7: memref<10000xi32, #tpu.memory_space<vmem>>, %arg8: memref<4736xi32, #tpu.memory_space<vmem>>, %arg9: memref<4736xi32, #tpu.memory_space<vmem>>, %arg10: memref<128x256xf32, #tpu.memory_space<vmem>>, %arg11: memref<128x256xf32, #tpu.memory_space<vmem>>, %arg12: memref<!tpu.dma_semaphore, #tpu.memory_space<semaphore_mem>>, %arg13: memref<!tpu.dma_semaphore, #tpu.memory_space<semaphore_mem>>) attributes {dimension_semantics = [#tpu.dimension_semantics<core_parallel>, #tpu.dimension_semantics<subcore_parallel>], iteration_bounds = array<i64: 2, 16>, scalar_prefetch = 0 : i64, scratch_operands = 8 : i64, tpu.core_type = #tpu.core_type<sc_vector_subcore>, window_params = [{transform_indices = #map}, {transform_indices = #map1}, {transform_indices = #map1}, {transform_indices = #map}]} {
    %mul3A = arith.constant 2 : i32
    %mul3A_0 = arith.muli %arg1, %mul3A : i32
    %add3A = arith.addi %mul3A_0, %arg0 : i32
    %mul3A_1 = arith.constant 4688 : i32
    %mul3A_2 = arith.muli %add3A, %mul3A_1 : i32
    %min3A = arith.constant 145264 : i32
    %min3A_3 = arith.minsi %mul3A_2, %min3A : i32
    %multiple_of3A = tpu.assume_multiple %min3A_3, 16 : i32
    "tpu.region"() ({
      %run_scoped3A = tpu.sem_alloc : memref<!tpu.dma_semaphore, #tpu.memory_space<semaphore_mem>>
      tpu.enqueue_dma source(%arg3 : memref<10000xi32, #tpu.memory_space<hbm>>) target(%arg6 : memref<10000xi32, #tpu.memory_space<vmem>>) target_semaphore(%run_scoped3A : memref<!tpu.dma_semaphore, #tpu.memory_space<semaphore_mem>>)
      tpu.wait_dma2 semaphore(%run_scoped3A : memref<!tpu.dma_semaphore, #tpu.memory_space<semaphore_mem>>) src(%arg3 : memref<10000xi32, #tpu.memory_space<hbm>>) dst(%arg6 : memref<10000xi32, #tpu.memory_space<vmem>>)
      tpu.yield
    }) : () -> ()
    "tpu.region"() ({
      %run_scoped3A = tpu.sem_alloc : memref<!tpu.dma_semaphore, #tpu.memory_space<semaphore_mem>>
      %dma_start3A_32 = tpu.memref_slice %arg4[%multiple_of3A] : memref<150000xi32, #tpu.memory_space<hbm>> -> memref<4736xi32, #tpu.memory_space<hbm>>
      %dma_start3A_33 = tpu.memref_slice %arg4[%multiple_of3A] : memref<150000xi32, #tpu.memory_space<hbm>> -> memref<4736xi32, #tpu.memory_space<hbm>>
      tpu.enqueue_dma source(%dma_start3A_33 : memref<4736xi32, #tpu.memory_space<hbm>>) target(%arg8 : memref<4736xi32, #tpu.memory_space<vmem>>) target_semaphore(%run_scoped3A : memref<!tpu.dma_semaphore, #tpu.memory_space<semaphore_mem>>)
      %dma_wait3A_34 = tpu.memref_slice %arg4[%multiple_of3A] : memref<150000xi32, #tpu.memory_space<hbm>> -> memref<4736xi32, #tpu.memory_space<hbm>>
      %dma_wait3A_35 = tpu.memref_slice %arg4[%multiple_of3A] : memref<150000xi32, #tpu.memory_space<hbm>> -> memref<4736xi32, #tpu.memory_space<hbm>>
      tpu.wait_dma2 semaphore(%run_scoped3A : memref<!tpu.dma_semaphore, #tpu.memory_space<semaphore_mem>>) src(%dma_wait3A_35 : memref<4736xi32, #tpu.memory_space<hbm>>) dst(%arg8 : memref<4736xi32, #tpu.memory_space<vmem>>)
      tpu.yield
    }) : () -> ()
    %scan3A = arith.constant 0 : i32
    %scan3A_4 = arith.constant 0 : i32
    %scan3A_5 = arith.constant 625 : i32
    %scan3A_6 = arith.addi %scan3A_4, %scan3A_5 : i32
    %scan3A_7 = arith.constant 1 : i32
    %scan3A_8 = scf.for %scan3A_32 = %scan3A_4 to %scan3A_6 step %scan3A_7 iter_args(%scan3A_33 = %scan3A) -> (i32)  : i32 {
      %mul3A_34 = arith.constant 16 : i32
      %mul3A_35 = arith.muli %scan3A_32, %mul3A_34 : i32
      %get3A = arith.index_cast %mul3A_35 : i32 to index
      %get3A_36 = tpu.vector_load %arg6[%get3A] {strides = array<i32>} : memref<10000xi32, #tpu.memory_space<vmem>>, vector<16xi32>,
      %broadcast_in_dim3A = arith.constant true
      %broadcast_in_dim3A_37 = vector.broadcast %broadcast_in_dim3A : i1 to vector<16xi1>
      %masked_cumsum3A = tpu.scan <sum>, %get3A_36 masked %broadcast_in_dim3A_37 : vector<16xi32>, vector<16xi1> -> vector<16xi32>
      %add3A_38 = vector.broadcast %scan3A_33 : i32 to vector<16xi32>
      %add3A_39 = arith.addi %masked_cumsum3A, %add3A_38 : vector<16xi32>
      %mul3A_40 = arith.constant 16 : i32
      %mul3A_41 = arith.muli %scan3A_32, %mul3A_40 : i32
      %swap3A = arith.index_cast %mul3A_41 : i32 to index
      %swap3A_42 = tpu.vector_load %arg7[%swap3A] {strides = array<i32>} : memref<10000xi32, #tpu.memory_space<vmem>>, vector<16xi32>,
      tpu.vector_store %arg7[%swap3A], %add3A_39 {strides = array<i32>} : memref<10000xi32, #tpu.memory_space<vmem>>, vector<16xi32>,
      %reduce_sum3A = arith.constant true
      %reduce_sum3A_43 = vector.broadcast %reduce_sum3A : i1 to vector<16xi1>
      %reduce_sum3A_44 = tpu.scan <sum>, %get3A_36 masked %reduce_sum3A_43 : vector<16xi32>, vector<16xi1> -> vector<16xi32>
      %reduce_sum3A_45 = vector.extract %reduce_sum3A_44[15] : i32 from vector<16xi32>
      %add3A_46 = arith.addi %scan3A_33, %reduce_sum3A_45 : i32
      scf.yield %add3A_46 : i32
    }
    %scan3A_9 = arith.constant 625 : i32
    %scan3A_10 = arith.constant 0 : i32
    %scan3A_11 = arith.constant 0 : i32
    %scan3A_12 = arith.constant 296 : i32
    %scan3A_13 = arith.addi %scan3A_11, %scan3A_12 : i32
    %scan3A_14 = arith.constant 1 : i32
    %scan3A_15 = scf.for %scan3A_32 = %scan3A_11 to %scan3A_13 step %scan3A_14 iter_args(%scan3A_33 = %scan3A_10) -> (i32)  : i32 {
      %mul3A_34 = arith.constant 16 : i32
      %mul3A_35 = arith.muli %scan3A_32, %mul3A_34 : i32
      %get3A = arith.index_cast %mul3A_35 : i32 to index
      %get3A_36 = tpu.vector_load %arg8[%get3A] {strides = array<i32>} : memref<4736xi32, #tpu.memory_space<vmem>>, vector<16xi32>,
      %max3A = arith.constant 0 : i32
      %max3A_37 = vector.broadcast %max3A : i32 to vector<16xi32>
      %max3A_38 = arith.maxsi %get3A_36, %max3A_37 : vector<16xi32>
      %sub3A = arith.constant 1 : i32
      %sub3A_39 = arith.subi %scan3A_8, %sub3A : i32
      %min3A_40 = vector.broadcast %sub3A_39 : i32 to vector<16xi32>
      %min3A_41 = arith.minsi %max3A_38, %min3A_40 : vector<16xi32>
      %broadcast_in_dim3A = arith.constant 0 : i32
      %broadcast_in_dim3A_42 = vector.broadcast %broadcast_in_dim3A : i32 to vector<16xi32>
      %add3A_43 = arith.constant 8192 : i32
      %add3A_44 = vector.broadcast %add3A_43 : i32 to vector<16xi32>
      %add3A_45 = arith.addi %broadcast_in_dim3A_42, %add3A_44 : vector<16xi32>
      %sub3A_46 = arith.constant 1 : i32
      %sub3A_47 = vector.broadcast %sub3A_46 : i32 to vector<16xi32>
      %sub3A_48 = arith.subi %add3A_45, %sub3A_47 : vector<16xi32>
      %min3A_49 = arith.constant 9999 : i32
      %min3A_50 = vector.broadcast %min3A_49 : i32 to vector<16xi32>
      %min3A_51 = arith.minsi %sub3A_48, %min3A_50 : vector<16xi32>
      %gather3A = tpu.vector_load_idx %arg7[%min3A_51] : memref<10000xi32, #tpu.memory_space<vmem>>[vector<16xi32>], vector<16xi32>,
      %le3A = arith.constant 10000 : i32
      %le3A_52 = vector.broadcast %le3A : i32 to vector<16xi32>
      %le3A_53 = arith.cmpi sle, %add3A_45, %le3A_52 : vector<16xi32>
      %le3A_54 = arith.cmpi sle, %gather3A, %min3A_41 : vector<16xi32>
      %and3A = arith.andi %le3A_53, %le3A_54 : vector<16xi1>
      %select_n3A = arith.select %and3A, %add3A_45, %broadcast_in_dim3A_42 : vector<16xi1>, vector<16xi32>
      %add3A_55 = arith.constant 4096 : i32
      %add3A_56 = vector.broadcast %add3A_55 : i32 to vector<16xi32>
      %add3A_57 = arith.addi %select_n3A, %add3A_56 : vector<16xi32>
      %sub3A_58 = arith.constant 1 : i32
      %sub3A_59 = vector.broadcast %sub3A_58 : i32 to vector<16xi32>
      %sub3A_60 = arith.subi %add3A_57, %sub3A_59 : vector<16xi32>
      %min3A_61 = arith.constant 9999 : i32
      %min3A_62 = vector.broadcast %min3A_61 : i32 to vector<16xi32>
      %min3A_63 = arith.minsi %sub3A_60, %min3A_62 : vector<16xi32>
      %gather3A_64 = tpu.vector_load_idx %arg7[%min3A_63] : memref<10000xi32, #tpu.memory_space<vmem>>[vector<16xi32>], vector<16xi32>,
      %le3A_65 = arith.constant 10000 : i32
      %le3A_66 = vector.broadcast %le3A_65 : i32 to vector<16xi32>
      %le3A_67 = arith.cmpi sle, %add3A_57, %le3A_66 : vector<16xi32>
      %le3A_68 = arith.cmpi sle, %gather3A_64, %min3A_41 : vector<16xi32>
      %and3A_69 = arith.andi %le3A_67, %le3A_68 : vector<16xi1>
      %select_n3A_70 = arith.select %and3A_69, %add3A_57, %select_n3A : vector<16xi1>, vector<16xi32>
      %add3A_71 = arith.constant 2048 : i32
      %add3A_72 = vector.broadcast %add3A_71 : i32 to vector<16xi32>
      %add3A_73 = arith.addi %select_n3A_70, %add3A_72 : vector<16xi32>
      %sub3A_74 = arith.constant 1 : i32
      %sub3A_75 = vector.broadcast %sub3A_74 : i32 to vector<16xi32>
      %sub3A_76 = arith.subi %add3A_73, %sub3A_75 : vector<16xi32>
      %min3A_77 = arith.constant 9999 : i32
      %min3A_78 = vector.broadcast %min3A_77 : i32 to vector<16xi32>
      %min3A_79 = arith.minsi %sub3A_76, %min3A_78 : vector<16xi32>
      %gather3A_80 = tpu.vector_load_idx %arg7[%min3A_79] : memref<10000xi32, #tpu.memory_space<vmem>>[vector<16xi32>], vector<16xi32>,
      %le3A_81 = arith.constant 10000 : i32
      %le3A_82 = vector.broadcast %le3A_81 : i32 to vector<16xi32>
      %le3A_83 = arith.cmpi sle, %add3A_73, %le3A_82 : vector<16xi32>
      %le3A_84 = arith.cmpi sle, %gather3A_80, %min3A_41 : vector<16xi32>
      %and3A_85 = arith.andi %le3A_83, %le3A_84 : vector<16xi1>
      %select_n3A_86 = arith.select %and3A_85, %add3A_73, %select_n3A_70 : vector<16xi1>, vector<16xi32>
      %add3A_87 = arith.constant 1024 : i32
      %add3A_88 = vector.broadcast %add3A_87 : i32 to vector<16xi32>
      %add3A_89 = arith.addi %select_n3A_86, %add3A_88 : vector<16xi32>
      %sub3A_90 = arith.constant 1 : i32
      %sub3A_91 = vector.broadcast %sub3A_90 : i32 to vector<16xi32>
      %sub3A_92 = arith.subi %add3A_89, %sub3A_91 : vector<16xi32>
      %min3A_93 = arith.constant 9999 : i32
      %min3A_94 = vector.broadcast %min3A_93 : i32 to vector<16xi32>
      %min3A_95 = arith.minsi %sub3A_92, %min3A_94 : vector<16xi32>
      %gather3A_96 = tpu.vector_load_idx %arg7[%min3A_95] : memref<10000xi32, #tpu.memory_space<vmem>>[vector<16xi32>], vector<16xi32>,
      %le3A_97 = arith.constant 10000 : i32
      %le3A_98 = vector.broadcast %le3A_97 : i32 to vector<16xi32>
      %le3A_99 = arith.cmpi sle, %add3A_89, %le3A_98 : vector<16xi32>
      %le3A_100 = arith.cmpi sle, %gather3A_96, %min3A_41 : vector<16xi32>
      %and3A_101 = arith.andi %le3A_99, %le3A_100 : vector<16xi1>
      %select_n3A_102 = arith.select %and3A_101, %add3A_89, %select_n3A_86 : vector<16xi1>, vector<16xi32>
      %add3A_103 = arith.constant 512 : i32
      %add3A_104 = vector.broadcast %add3A_103 : i32 to vector<16xi32>
      %add3A_105 = arith.addi %select_n3A_102, %add3A_104 : vector<16xi32>
      %sub3A_106 = arith.constant 1 : i32
      %sub3A_107 = vector.broadcast %sub3A_106 : i32 to vector<16xi32>
      %sub3A_108 = arith.subi %add3A_105, %sub3A_107 : vector<16xi32>
      %min3A_109 = arith.constant 9999 : i32
      %min3A_110 = vector.broadcast %min3A_109 : i32 to vector<16xi32>
      %min3A_111 = arith.minsi %sub3A_108, %min3A_110 : vector<16xi32>
      %gather3A_112 = tpu.vector_load_idx %arg7[%min3A_111] : memref<10000xi32, #tpu.memory_space<vmem>>[vector<16xi32>], vector<16xi32>,
      %le3A_113 = arith.constant 10000 : i32
      %le3A_114 = vector.broadcast %le3A_113 : i32 to vector<16xi32>
      %le3A_115 = arith.cmpi sle, %add3A_105, %le3A_114 : vector<16xi32>
      %le3A_116 = arith.cmpi sle, %gather3A_112, %min3A_41 : vector<16xi32>
      %and3A_117 = arith.andi %le3A_115, %le3A_116 : vector<16xi1>
      %select_n3A_118 = arith.select %and3A_117, %add3A_105, %select_n3A_102 : vector<16xi1>, vector<16xi32>
      %add3A_119 = arith.constant 256 : i32
      %add3A_120 = vector.broadcast %add3A_119 : i32 to vector<16xi32>
      %add3A_121 = arith.addi %select_n3A_118, %add3A_120 : vector<16xi32>
      %sub3A_122 = arith.constant 1 : i32
      %sub3A_123 = vector.broadcast %sub3A_122 : i32 to vector<16xi32>
      %sub3A_124 = arith.subi %add3A_121, %sub3A_123 : vector<16xi32>
      %min3A_125 = arith.constant 9999 : i32
      %min3A_126 = vector.broadcast %min3A_125 : i32 to vector<16xi32>
      %min3A_127 = arith.minsi %sub3A_124, %min3A_126 : vector<16xi32>
      %gather3A_128 = tpu.vector_load_idx %arg7[%min3A_127] : memref<10000xi32, #tpu.memory_space<vmem>>[vector<16xi32>], vector<16xi32>,
      %le3A_129 = arith.constant 10000 : i32
      %le3A_130 = vector.broadcast %le3A_129 : i32 to vector<16xi32>
      %le3A_131 = arith.cmpi sle, %add3A_121, %le3A_130 : vector<16xi32>
      %le3A_132 = arith.cmpi sle, %gather3A_128, %min3A_41 : vector<16xi32>
      %and3A_133 = arith.andi %le3A_131, %le3A_132 : vector<16xi1>
      %select_n3A_134 = arith.select %and3A_133, %add3A_121, %select_n3A_118 : vector<16xi1>, vector<16xi32>
      %add3A_135 = arith.constant 128 : i32
      %add3A_136 = vector.broadcast %add3A_135 : i32 to vector<16xi32>
      %add3A_137 = arith.addi %select_n3A_134, %add3A_136 : vector<16xi32>
      %sub3A_138 = arith.constant 1 : i32
      %sub3A_139 = vector.broadcast %sub3A_138 : i32 to vector<16xi32>
      %sub3A_140 = arith.subi %add3A_137, %sub3A_139 : vector<16xi32>
      %min3A_141 = arith.constant 9999 : i32
      %min3A_142 = vector.broadcast %min3A_141 : i32 to vector<16xi32>
      %min3A_143 = arith.minsi %sub3A_140, %min3A_142 : vector<16xi32>
      %gather3A_144 = tpu.vector_load_idx %arg7[%min3A_143] : memref<10000xi32, #tpu.memory_space<vmem>>[vector<16xi32>], vector<16xi32>,
      %le3A_145 = arith.constant 10000 : i32
      %le3A_146 = vector.broadcast %le3A_145 : i32 to vector<16xi32>
      %le3A_147 = arith.cmpi sle, %add3A_137, %le3A_146 : vector<16xi32>
      %le3A_148 = arith.cmpi sle, %gather3A_144, %min3A_41 : vector<16xi32>
      %and3A_149 = arith.andi %le3A_147, %le3A_148 : vector<16xi1>
      %select_n3A_150 = arith.select %and3A_149, %add3A_137, %select_n3A_134 : vector<16xi1>, vector<16xi32>
      %add3A_151 = arith.constant 64 : i32
      %add3A_152 = vector.broadcast %add3A_151 : i32 to vector<16xi32>
      %add3A_153 = arith.addi %select_n3A_150, %add3A_152 : vector<16xi32>
      %sub3A_154 = arith.constant 1 : i32
      %sub3A_155 = vector.broadcast %sub3A_154 : i32 to vector<16xi32>
      %sub3A_156 = arith.subi %add3A_153, %sub3A_155 : vector<16xi32>
      %min3A_157 = arith.constant 9999 : i32
      %min3A_158 = vector.broadcast %min3A_157 : i32 to vector<16xi32>
      %min3A_159 = arith.minsi %sub3A_156, %min3A_158 : vector<16xi32>
      %gather3A_160 = tpu.vector_load_idx %arg7[%min3A_159] : memref<10000xi32, #tpu.memory_space<vmem>>[vector<16xi32>], vector<16xi32>,
      %le3A_161 = arith.constant 10000 : i32
      %le3A_162 = vector.broadcast %le3A_161 : i32 to vector<16xi32>
      %le3A_163 = arith.cmpi sle, %add3A_153, %le3A_162 : vector<16xi32>
      %le3A_164 = arith.cmpi sle, %gather3A_160, %min3A_41 : vector<16xi32>
      %and3A_165 = arith.andi %le3A_163, %le3A_164 : vector<16xi1>
      %select_n3A_166 = arith.select %and3A_165, %add3A_153, %select_n3A_150 : vector<16xi1>, vector<16xi32>
      %add3A_167 = arith.constant 32 : i32
      %add3A_168 = vector.broadcast %add3A_167 : i32 to vector<16xi32>
      %add3A_169 = arith.addi %select_n3A_166, %add3A_168 : vector<16xi32>
      %sub3A_170 = arith.constant 1 : i32
      %sub3A_171 = vector.broadcast %sub3A_170 : i32 to vector<16xi32>
      %sub3A_172 = arith.subi %add3A_169, %sub3A_171 : vector<16xi32>
      %min3A_173 = arith.constant 9999 : i32
      %min3A_174 = vector.broadcast %min3A_173 : i32 to vector<16xi32>
      %min3A_175 = arith.minsi %sub3A_172, %min3A_174 : vector<16xi32>
      %gather3A_176 = tpu.vector_load_idx %arg7[%min3A_175] : memref<10000xi32, #tpu.memory_space<vmem>>[vector<16xi32>], vector<16xi32>,
      %le3A_177 = arith.constant 10000 : i32
      %le3A_178 = vector.broadcast %le3A_177 : i32 to vector<16xi32>
      %le3A_179 = arith.cmpi sle, %add3A_169, %le3A_178 : vector<16xi32>
      %le3A_180 = arith.cmpi sle, %gather3A_176, %min3A_41 : vector<16xi32>
      %and3A_181 = arith.andi %le3A_179, %le3A_180 : vector<16xi1>
      %select_n3A_182 = arith.select %and3A_181, %add3A_169, %select_n3A_166 : vector<16xi1>, vector<16xi32>
      %add3A_183 = arith.constant 16 : i32
      %add3A_184 = vector.broadcast %add3A_183 : i32 to vector<16xi32>
      %add3A_185 = arith.addi %select_n3A_182, %add3A_184 : vector<16xi32>
      %sub3A_186 = arith.constant 1 : i32
      %sub3A_187 = vector.broadcast %sub3A_186 : i32 to vector<16xi32>
      %sub3A_188 = arith.subi %add3A_185, %sub3A_187 : vector<16xi32>
      %min3A_189 = arith.constant 9999 : i32
      %min3A_190 = vector.broadcast %min3A_189 : i32 to vector<16xi32>
      %min3A_191 = arith.minsi %sub3A_188, %min3A_190 : vector<16xi32>
      %gather3A_192 = tpu.vector_load_idx %arg7[%min3A_191] : memref<10000xi32, #tpu.memory_space<vmem>>[vector<16xi32>], vector<16xi32>,
      %le3A_193 = arith.constant 10000 : i32
      %le3A_194 = vector.broadcast %le3A_193 : i32 to vector<16xi32>
      %le3A_195 = arith.cmpi sle, %add3A_185, %le3A_194 : vector<16xi32>
      %le3A_196 = arith.cmpi sle, %gather3A_192, %min3A_41 : vector<16xi32>
      %and3A_197 = arith.andi %le3A_195, %le3A_196 : vector<16xi1>
      %select_n3A_198 = arith.select %and3A_197, %add3A_185, %select_n3A_182 : vector<16xi1>, vector<16xi32>
      %add3A_199 = arith.constant 8 : i32
      %add3A_200 = vector.broadcast %add3A_199 : i32 to vector<16xi32>
      %add3A_201 = arith.addi %select_n3A_198, %add3A_200 : vector<16xi32>
      %sub3A_202 = arith.constant 1 : i32
      %sub3A_203 = vector.broadcast %sub3A_202 : i32 to vector<16xi32>
      %sub3A_204 = arith.subi %add3A_201, %sub3A_203 : vector<16xi32>
      %min3A_205 = arith.constant 9999 : i32
      %min3A_206 = vector.broadcast %min3A_205 : i32 to vector<16xi32>
      %min3A_207 = arith.minsi %sub3A_204, %min3A_206 : vector<16xi32>
      %gather3A_208 = tpu.vector_load_idx %arg7[%min3A_207] : memref<10000xi32, #tpu.memory_space<vmem>>[vector<16xi32>], vector<16xi32>,
      %le3A_209 = arith.constant 10000 : i32
      %le3A_210 = vector.broadcast %le3A_209 : i32 to vector<16xi32>
      %le3A_211 = arith.cmpi sle, %add3A_201, %le3A_210 : vector<16xi32>
      %le3A_212 = arith.cmpi sle, %gather3A_208, %min3A_41 : vector<16xi32>
      %and3A_213 = arith.andi %le3A_211, %le3A_212 : vector<16xi1>
      %select_n3A_214 = arith.select %and3A_213, %add3A_201, %select_n3A_198 : vector<16xi1>, vector<16xi32>
      %add3A_215 = arith.constant 4 : i32
      %add3A_216 = vector.broadcast %add3A_215 : i32 to vector<16xi32>
      %add3A_217 = arith.addi %select_n3A_214, %add3A_216 : vector<16xi32>
      %sub3A_218 = arith.constant 1 : i32
      %sub3A_219 = vector.broadcast %sub3A_218 : i32 to vector<16xi32>
      %sub3A_220 = arith.subi %add3A_217, %sub3A_219 : vector<16xi32>
      %min3A_221 = arith.constant 9999 : i32
      %min3A_222 = vector.broadcast %min3A_221 : i32 to vector<16xi32>
      %min3A_223 = arith.minsi %sub3A_220, %min3A_222 : vector<16xi32>
      %gather3A_224 = tpu.vector_load_idx %arg7[%min3A_223] : memref<10000xi32, #tpu.memory_space<vmem>>[vector<16xi32>], vector<16xi32>,
      %le3A_225 = arith.constant 10000 : i32
      %le3A_226 = vector.broadcast %le3A_225 : i32 to vector<16xi32>
      %le3A_227 = arith.cmpi sle, %add3A_217, %le3A_226 : vector<16xi32>
      %le3A_228 = arith.cmpi sle, %gather3A_224, %min3A_41 : vector<16xi32>
      %and3A_229 = arith.andi %le3A_227, %le3A_228 : vector<16xi1>
      %select_n3A_230 = arith.select %and3A_229, %add3A_217, %select_n3A_214 : vector<16xi1>, vector<16xi32>
      %add3A_231 = arith.constant 2 : i32
      %add3A_232 = vector.broadcast %add3A_231 : i32 to vector<16xi32>
      %add3A_233 = arith.addi %select_n3A_230, %add3A_232 : vector<16xi32>
      %sub3A_234 = arith.constant 1 : i32
      %sub3A_235 = vector.broadcast %sub3A_234 : i32 to vector<16xi32>
      %sub3A_236 = arith.subi %add3A_233, %sub3A_235 : vector<16xi32>
      %min3A_237 = arith.constant 9999 : i32
      %min3A_238 = vector.broadcast %min3A_237 : i32 to vector<16xi32>
      %min3A_239 = arith.minsi %sub3A_236, %min3A_238 : vector<16xi32>
      %gather3A_240 = tpu.vector_load_idx %arg7[%min3A_239] : memref<10000xi32, #tpu.memory_space<vmem>>[vector<16xi32>], vector<16xi32>,
      %le3A_241 = arith.constant 10000 : i32
      %le3A_242 = vector.broadcast %le3A_241 : i32 to vector<16xi32>
      %le3A_243 = arith.cmpi sle, %add3A_233, %le3A_242 : vector<16xi32>
      %le3A_244 = arith.cmpi sle, %gather3A_240, %min3A_41 : vector<16xi32>
      %and3A_245 = arith.andi %le3A_243, %le3A_244 : vector<16xi1>
      %select_n3A_246 = arith.select %and3A_245, %add3A_233, %select_n3A_230 : vector<16xi1>, vector<16xi32>
      %add3A_247 = arith.constant 1 : i32
      %add3A_248 = vector.broadcast %add3A_247 : i32 to vector<16xi32>
      %add3A_249 = arith.addi %select_n3A_246, %add3A_248 : vector<16xi32>
      %sub3A_250 = arith.constant 1 : i32
      %sub3A_251 = vector.broadcast %sub3A_250 : i32 to vector<16xi32>
      %sub3A_252 = arith.subi %add3A_249, %sub3A_251 : vector<16xi32>
      %min3A_253 = arith.constant 9999 : i32
      %min3A_254 = vector.broadcast %min3A_253 : i32 to vector<16xi32>
      %min3A_255 = arith.minsi %sub3A_252, %min3A_254 : vector<16xi32>
      %gather3A_256 = tpu.vector_load_idx %arg7[%min3A_255] : memref<10000xi32, #tpu.memory_space<vmem>>[vector<16xi32>], vector<16xi32>,
      %le3A_257 = arith.constant 10000 : i32
      %le3A_258 = vector.broadcast %le3A_257 : i32 to vector<16xi32>
      %le3A_259 = arith.cmpi sle, %add3A_249, %le3A_258 : vector<16xi32>
      %le3A_260 = arith.cmpi sle, %gather3A_256, %min3A_41 : vector<16xi32>
      %and3A_261 = arith.andi %le3A_259, %le3A_260 : vector<16xi1>
      %select_n3A_262 = arith.select %and3A_261, %add3A_249, %select_n3A_246 : vector<16xi1>, vector<16xi32>
      %mul3A_263 = arith.constant 16 : i32
      %mul3A_264 = arith.muli %scan3A_32, %mul3A_263 : i32
      %swap3A = arith.index_cast %mul3A_264 : i32 to index
      %swap3A_265 = tpu.vector_load %arg9[%swap3A] {strides = array<i32>} : memref<4736xi32, #tpu.memory_space<vmem>>, vector<16xi32>,
      tpu.vector_store %arg9[%swap3A], %select_n3A_262 {strides = array<i32>} : memref<4736xi32, #tpu.memory_space<vmem>>, vector<16xi32>,
      %scan3A_266 = arith.constant 0 : i32
      scf.yield %scan3A_266 : i32
    }
    %scan3A_16 = arith.constant 296 : i32
    %multiple_of3A_17 = arith.constant 0 : i32
    %multiple_of3A_18 = tpu.assume_multiple %multiple_of3A_17, 128 : i32
    %dma_start3A = tpu.memref_slice %arg9[%multiple_of3A_18] : memref<4736xi32, #tpu.memory_space<vmem>> -> memref<128xi32, #tpu.memory_space<vmem>>
    %dma_start3A_19 = arith.constant 0 : i32
    %dma_start3A_20 = arith.constant 0 : i32
    %dma_start3A_21 = tpu.memref_slice %arg2[%dma_start3A_19, %dma_start3A_20] : memref<10000x256xf32, #tpu.memory_space<hbm>> -> memref<10000x256xf32, #tpu.memory_space<hbm>>
    tpu.enqueue_indirect_dma source(%dma_start3A_21 : memref<10000x256xf32, #tpu.memory_space<hbm>>) target(%arg10 : memref<128x256xf32, #tpu.memory_space<vmem>>) offsets(%dma_start3A : memref<128xi32, #tpu.memory_space<vmem>>) semaphore(%arg12 : memref<!tpu.dma_semaphore, #tpu.memory_space<semaphore_mem>>)
    %dma_wait3A = tpu.memref_slice %arg9[%multiple_of3A_18] : memref<4736xi32, #tpu.memory_space<vmem>> -> memref<128xi32, #tpu.memory_space<vmem>>
    %dma_wait3A_22 = arith.constant 0 : i32
    %dma_wait3A_23 = arith.constant 0 : i32
    %dma_wait3A_24 = tpu.memref_slice %arg2[%dma_wait3A_22, %dma_wait3A_23] : memref<10000x256xf32, #tpu.memory_space<hbm>> -> memref<10000x256xf32, #tpu.memory_space<hbm>>
    tpu.wait_indirect_dma semaphore(%arg12 : memref<!tpu.dma_semaphore, #tpu.memory_space<semaphore_mem>>) src(%dma_wait3A_24 : memref<10000x256xf32, #tpu.memory_space<hbm>>) dst(%arg10 : memref<128x256xf32, #tpu.memory_space<vmem>>)
    %scan3A_25 = arith.constant 0 : i32
    %scan3A_26 = arith.constant 0 : i32
    %scan3A_27 = arith.constant 19 : i32
    %scan3A_28 = arith.addi %scan3A_26, %scan3A_27 : i32
    %scan3A_29 = arith.constant 1 : i32
    %scan3A_30 = scf.for %scan3A_32 = %scan3A_26 to %scan3A_28 step %scan3A_29 iter_args(%scan3A_33 = %scan3A_25) -> (i32)  : i32 {
      %mul3A_34 = arith.constant 2 : i32
      %mul3A_35 = arith.muli %scan3A_32, %mul3A_34 : i32
      %add3A_36 = arith.constant 1 : i32
      %add3A_37 = arith.addi %mul3A_35, %add3A_36 : i32
      %min3A_38 = arith.constant 36 : i32
      %min3A_39 = arith.minsi %add3A_37, %min3A_38 : i32
      %mul3A_40 = arith.constant 128 : i32
      %mul3A_41 = arith.muli %min3A_39, %mul3A_40 : i32
      %multiple_of3A_42 = tpu.assume_multiple %mul3A_41, 128 : i32
      %dma_start3A_43 = tpu.memref_slice %arg9[%multiple_of3A_42] : memref<4736xi32, #tpu.memory_space<vmem>> -> memref<128xi32, #tpu.memory_space<vmem>>
      %dma_start3A_44 = arith.constant 0 : i32
      %dma_start3A_45 = arith.constant 0 : i32
      %dma_start3A_46 = tpu.memref_slice %arg2[%dma_start3A_44, %dma_start3A_45] : memref<10000x256xf32, #tpu.memory_space<hbm>> -> memref<10000x256xf32, #tpu.memory_space<hbm>>
      tpu.enqueue_indirect_dma source(%dma_start3A_46 : memref<10000x256xf32, #tpu.memory_space<hbm>>) target(%arg11 : memref<128x256xf32, #tpu.memory_space<vmem>>) offsets(%dma_start3A_43 : memref<128xi32, #tpu.memory_space<vmem>>) semaphore(%arg13 : memref<!tpu.dma_semaphore, #tpu.memory_space<semaphore_mem>>)
      %mul3A_47 = arith.constant 128 : i32
      %mul3A_48 = arith.muli %mul3A_35, %mul3A_47 : i32
      %multiple_of3A_49 = tpu.assume_multiple %mul3A_48, 128 : i32
      %add3A_50 = arith.addi %multiple_of3A, %multiple_of3A_49 : i32
      "tpu.region"() ({
        %run_scoped3A = tpu.sem_alloc : memref<!tpu.dma_semaphore, #tpu.memory_space<semaphore_mem>>
        %dma_start3A_75 = arith.constant 0 : i32
        %dma_start3A_76 = tpu.memref_slice %arg5[%add3A_50, %dma_start3A_75] : memref<150000x256xf32, #tpu.memory_space<hbm>> -> memref<128x256xf32, #tpu.memory_space<hbm>>
        %dma_start3A_77 = arith.constant 0 : i32
        %dma_start3A_78 = tpu.memref_slice %arg5[%add3A_50, %dma_start3A_77] : memref<150000x256xf32, #tpu.memory_space<hbm>> -> memref<128x256xf32, #tpu.memory_space<hbm>>
        tpu.enqueue_dma source(%arg10 : memref<128x256xf32, #tpu.memory_space<vmem>>) target(%dma_start3A_78 : memref<128x256xf32, #tpu.memory_space<hbm>>) target_semaphore(%run_scoped3A : memref<!tpu.dma_semaphore, #tpu.memory_space<semaphore_mem>>)
        %dma_wait3A_79 = arith.constant 0 : i32
        %dma_wait3A_80 = tpu.memref_slice %arg5[%add3A_50, %dma_wait3A_79] : memref<150000x256xf32, #tpu.memory_space<hbm>> -> memref<128x256xf32, #tpu.memory_space<hbm>>
        %dma_wait3A_81 = arith.constant 0 : i32
        %dma_wait3A_82 = tpu.memref_slice %arg5[%add3A_50, %dma_wait3A_81] : memref<150000x256xf32, #tpu.memory_space<hbm>> -> memref<128x256xf32, #tpu.memory_space<hbm>>
        tpu.wait_dma2 semaphore(%run_scoped3A : memref<!tpu.dma_semaphore, #tpu.memory_space<semaphore_mem>>) src(%arg10 : memref<128x256xf32, #tpu.memory_space<vmem>>) dst(%dma_wait3A_82 : memref<128x256xf32, #tpu.memory_space<hbm>>)
        tpu.yield
      }) : () -> ()
      %dma_wait3A_51 = tpu.memref_slice %arg9[%multiple_of3A_42] : memref<4736xi32, #tpu.memory_space<vmem>> -> memref<128xi32, #tpu.memory_space<vmem>>
      %dma_wait3A_52 = arith.constant 0 : i32
      %dma_wait3A_53 = arith.constant 0 : i32
      %dma_wait3A_54 = tpu.memref_slice %arg2[%dma_wait3A_52, %dma_wait3A_53] : memref<10000x256xf32, #tpu.memory_space<hbm>> -> memref<10000x256xf32, #tpu.memory_space<hbm>>
      tpu.wait_indirect_dma semaphore(%arg13 : memref<!tpu.dma_semaphore, #tpu.memory_space<semaphore_mem>>) src(%dma_wait3A_54 : memref<10000x256xf32, #tpu.memory_space<hbm>>) dst(%arg11 : memref<128x256xf32, #tpu.memory_space<vmem>>)
      %add3A_55 = arith.constant 2 : i32
      %add3A_56 = arith.addi %mul3A_35, %add3A_55 : i32
      %min3A_57 = arith.constant 36 : i32
      %min3A_58 = arith.minsi %add3A_56, %min3A_57 : i32
      %mul3A_59 = arith.constant 128 : i32
      %mul3A_60 = arith.muli %min3A_58, %mul3A_59 : i32
      %multiple_of3A_61 = tpu.assume_multiple %mul3A_60, 128 : i32
      %dma_start3A_62 = tpu.memref_slice %arg9[%multiple_of3A_61] : memref<4736xi32, #tpu.memory_space<vmem>> -> memref<128xi32, #tpu.memory_space<vmem>>
      %dma_start3A_63 = arith.constant 0 : i32
      %dma_start3A_64 = arith.constant 0 : i32
      %dma_start3A_65 = tpu.memref_slice %arg2[%dma_start3A_63, %dma_start3A_64] : memref<10000x256xf32, #tpu.memory_space<hbm>> -> memref<10000x256xf32, #tpu.memory_space<hbm>>
      tpu.enqueue_indirect_dma source(%dma_start3A_65 : memref<10000x256xf32, #tpu.memory_space<hbm>>) target(%arg10 : memref<128x256xf32, #tpu.memory_space<vmem>>) offsets(%dma_start3A_62 : memref<128xi32, #tpu.memory_space<vmem>>) semaphore(%arg12 : memref<!tpu.dma_semaphore, #tpu.memory_space<semaphore_mem>>)
      %mul3A_66 = arith.constant 128 : i32
      %mul3A_67 = arith.muli %min3A_39, %mul3A_66 : i32
      %multiple_of3A_68 = tpu.assume_multiple %mul3A_67, 128 : i32
      %add3A_69 = arith.addi %multiple_of3A, %multiple_of3A_68 : i32
      "tpu.region"() ({
        %run_scoped3A = tpu.sem_alloc : memref<!tpu.dma_semaphore, #tpu.memory_space<semaphore_mem>>
        %dma_start3A_75 = arith.constant 0 : i32
        %dma_start3A_76 = tpu.memref_slice %arg5[%add3A_69, %dma_start3A_75] : memref<150000x256xf32, #tpu.memory_space<hbm>> -> memref<128x256xf32, #tpu.memory_space<hbm>>
        %dma_start3A_77 = arith.constant 0 : i32
        %dma_start3A_78 = tpu.memref_slice %arg5[%add3A_69, %dma_start3A_77] : memref<150000x256xf32, #tpu.memory_space<hbm>> -> memref<128x256xf32, #tpu.memory_space<hbm>>
        tpu.enqueue_dma source(%arg11 : memref<128x256xf32, #tpu.memory_space<vmem>>) target(%dma_start3A_78 : memref<128x256xf32, #tpu.memory_space<hbm>>) target_semaphore(%run_scoped3A : memref<!tpu.dma_semaphore, #tpu.memory_space<semaphore_mem>>)
        %dma_wait3A_79 = arith.constant 0 : i32
        %dma_wait3A_80 = tpu.memref_slice %arg5[%add3A_69, %dma_wait3A_79] : memref<150000x256xf32, #tpu.memory_space<hbm>> -> memref<128x256xf32, #tpu.memory_space<hbm>>
        %dma_wait3A_81 = arith.constant 0 : i32
        %dma_wait3A_82 = tpu.memref_slice %arg5[%add3A_69, %dma_wait3A_81] : memref<150000x256xf32, #tpu.memory_space<hbm>> -> memref<128x256xf32, #tpu.memory_space<hbm>>
        tpu.wait_dma2 semaphore(%run_scoped3A : memref<!tpu.dma_semaphore, #tpu.memory_space<semaphore_mem>>) src(%arg11 : memref<128x256xf32, #tpu.memory_space<vmem>>) dst(%dma_wait3A_82 : memref<128x256xf32, #tpu.memory_space<hbm>>)
        tpu.yield
      }) : () -> ()
      %dma_wait3A_70 = tpu.memref_slice %arg9[%multiple_of3A_61] : memref<4736xi32, #tpu.memory_space<vmem>> -> memref<128xi32, #tpu.memory_space<vmem>>
      %dma_wait3A_71 = arith.constant 0 : i32
      %dma_wait3A_72 = arith.constant 0 : i32
      %dma_wait3A_73 = tpu.memref_slice %arg2[%dma_wait3A_71, %dma_wait3A_72] : memref<10000x256xf32, #tpu.memory_space<hbm>> -> memref<10000x256xf32, #tpu.memory_space<hbm>>
      tpu.wait_indirect_dma semaphore(%arg12 : memref<!tpu.dma_semaphore, #tpu.memory_space<semaphore_mem>>) src(%dma_wait3A_73 : memref<10000x256xf32, #tpu.memory_space<hbm>>) dst(%arg10 : memref<128x256xf32, #tpu.memory_space<vmem>>)
      %scan3A_74 = arith.constant 0 : i32
      scf.yield %scan3A_74 : i32
    }
    %scan3A_31 = arith.constant 19 : i32
    return
  }
}

</mosaic_0001>

<sc_bundles>
// kernel: kernel.3.cloned.1.call-start
scs
__scs_entry_jumppad:
0x0: {  	(pc) =	sbr.rel $0x88, $3  }
0x1: {  	(tag) =	ssettag $0x0;
	lr =	simm.s32 $0x1  }
0x2: {  	[smem:$0x3F9E] =	sst lr;
	_ =	strace $0xD0000000  }
0x3: {  	_ = 	snop  }
0x4: {  	_ = 	snop  }
0x5: {  	_ = 	snop  }
0x6: {  	_ = 	snop  }
0x7: {  	_ = 	snop  }
__scs_overlays_trampoline_lowered:
0x8: {  	[smem:$0x3FAD] =	sst s0  }
0x9: {  	[smem:$0x3FAE] =	sst s1  }
0xa: {  	[smem:$0x3FAF] =	sst s2  }
0xb: {  	[smem:$0x3FB0] =	sst s3  }
0xc: {  	[smem:$0x3FB1] =	sst s4  }
0xd: {  	[smem:$0x3FB2] =	sst s5  }
0xe: {  	[smem:$0x3FB3] =	sst s6  }
0xf: {  	[smem:$0x3FB4] =	sst s7  }
0x10: {  	[smem:$0x3FB5] =	sst s8  }
0x11: {  	[smem:$0x3FB6] =	sst s9;
	s0 =	simm.s32 @!p0 $0x0  }
0x12: {  	s1 =	sld [smem:$0x3F9C];
	s0 =	simm.s32 @p0 $0x1  }
0x13: {  	[smem:$0x3FB7] =	sst s0;
	s0 =	simm.s32 @!p1 $0x0  }
0x14: {  	s2 =	sld [smem:$0x3F9B];
	s0 =	simm.s32 @p1 $0x1  }
0x15: {  	[smem:$0x3FB8] =	sst s0;
	s0 =	simm.s32 @!p2 $0x0  }
0x16: {  	s3 =	sld [smem:$0x3FDB];
	s0 =	simm.s32 @p2 $0x1  }
0x17: {  	s4 =	simm.s32 $0x1BF5;
	[smem:$0x3FBA] =	sst s0  }
0x18: {  	s0 =	sld [smem:$0x3F9D];
	_ =	swait.ge [sflag:s4], $0x0  }
0x19: {  	s7 =	sld [smem:$0x3F9E]  }
0x1a: {  	s8 =	sadd.s32 $0xFFFFE003, lr  }
0x1b: {  	s9 =	sadd.s32 $0xFFFFFEF7, lr;
	s5 =	simm.s32 $0xFFFFFFFF;
	p2 =	slt.u32 s8, $0xFFFFF086  }
0x1c: {  	p1 =	slt.u32 s9, $0xF7A;
	s5 =	simm.s32 @!p2 $0x0  }
0x1d: {  	s5 =	simm.s32 @p1 $0x1;
	p0 =	seq.s32 s7, s2  }
0x1e: {  	s7 =	smul.u32 @!p0 $0xF7A, s2;
	p2 =	seq.s32 @!p0 s5, $0x0  }
0x1f: {  	s9 =	smul.u32 $0xF7A, s1;
	s8 =	simm.s32 @!p0 $0x1BF5;
	p2 =	por !p2, p0  }
0x20: {  	[sflag:s8] =	ssyncset.s32 @!p0 $0xFFFFF086;
	s6 =	sadd.s32 @!p0 s3, s7;
	s7 =	simm.s32 @!p0 $0x108  }
0x21: {  	s3 =	sadd.s32 s3, s9;
	s6 =	sadd.s32 @!p0 $0x88, s6;
	s7 =	simm.s32 @p2 $0x1082  }
0x22: {  	[simem:s7], [sflag:s8] =	dma.local @!p0 [hbm:s6], $0xF7A  }
0x23: {  	s9 =	sor.u32 $0xD0000000, s2;
	s6 =	simm.s32 $0x108;
	_ =	swait.ge @!p0 [sflag:s8], $0x0  }
0x24: {  	s3 =	sadd.s32 $0x88, s3;
	s6 =	simm.s32 @!p1 $0x1082;
	[sflag:s4] =	ssyncset.s32 $0xFFFFF086  }
0x25: {  	[simem:s6], [sflag:s4] =	dma.local [hbm:s3], $0xF7A  }
0x26: {  	[smem:$0x3F9E] =	sst s1;
	(tag) =	ssettag s2;
	_ =	strace s9  }
0x27: {  	s1 =	sld [smem:$0x3FAE]  }
0x28: {  	s2 =	sld [smem:$0x3FAF]  }
0x29: {  	s4 =	sld [smem:$0x3FB1]  }
0x2a: {  	p0 =	seq.s32 s5, $0x0;
	s5 =	sld [smem:$0x3FB2]  }
0x2b: {  	s6 =	sld [smem:$0x3FB3]  }
0x2c: {  	s7 =	sld [smem:$0x3FB4]  }
0x2d: {  	s3 =	simm.s32 $0x108;
	s8 =	sld [smem:$0x3FB5]  }
0x2e: {  	s3 =	simm.s32 @!p0 $0x1082;
	s9 =	sld [smem:$0x3FB6]  }
0x2f: {  	lr =	sadd.s32 s0, s3;
	s0 =	sld [smem:$0x3FAD]  }
0x30: {  	s3 =	sld [smem:$0x3FB0]  }
0x31: {  	[smem:$0x3FB9] =	sst s10  }
0x32: {  	s10 =	sld [smem:$0x3FB7];
	_ =	sdelay $0x3  }
0x33: {  	p0 =	seq.s32 s10, $0x1;
	s10 =	sld [smem:$0x3FB9];
	_ =	sdelay $0x3  }
0x34: {  	[smem:$0x3FB9] =	sst s10  }
0x35: {  	s10 =	sld [smem:$0x3FB8];
	_ =	sdelay $0x3  }
0x36: {  	p1 =	seq.s32 s10, $0x1;
	s10 =	sld [smem:$0x3FB9];
	_ =	sdelay $0x3  }
0x37: {  	[smem:$0x3FB9] =	sst s10  }
0x38: {  	s10 =	sld [smem:$0x3FBA]  }
0x39: {  	_ = 	snop;
	(pc) =	sbr.ind lr, $3  }
0x3a: {  	_ = 	snop  }
0x3b: {  	_ = 	snop  }
0x3c: {  	p2 =	seq.s32 s10, $0x1;
	s10 =	sld [smem:$0x3FB9]  }
0x3d: {  	_ =	shalt  }
0x3e: {  	_ =	shalt  }
0x3f: {  	_ =	shalt  }
0x40: {  	_ =	shalt  }
0x41: {  	_ =	shalt  }
0x42: {  	_ =	shalt  }
0x43: {  	_ =	shalt  }
0x44: {  	_ =	shalt  }
0x45: {  	_ =	shalt  }
0x46: {  	_ =	shalt  }
0x47: {  	_ =	shalt  }
0x48: {  	_ =	shalt  }
0x49: {  	_ =	shalt  }
0x4a: {  	_ =	shalt  }
0x4b: {  	_ =	shalt  }
0x4c: {  	_ =	shalt  }
0x4d: {  	_ =	shalt  }
0x4e: {  	_ =	shalt  }
0x4f: {  	_ =	shalt  }
0x50: {  	_ =	shalt  }
0x51: {  	_ =	shalt  }
0x52: {  	_ =	shalt  }
0x53: {  	_ =	shalt  }
0x54: {  	_ =	shalt  }
0x55: {  	_ =	shalt  }
0x56: {  	_ =	shalt  }
0x57: {  	_ =	shalt  }
0x58: {  	_ =	shalt  }
0x59: {  	_ =	shalt  }
0x5a: {  	_ =	shalt  }
0x5b: {  	_ =	shalt  }
0x5c: {  	_ =	shalt  }
0x5d: {  	_ =	shalt  }
0x5e: {  	_ =	shalt  }
0x5f: {  	_ =	shalt  }
0x60: {  	_ =	shalt  }
0x61: {  	_ =	shalt  }
0x62: {  	_ =	shalt  }
0x63: {  	_ =	shalt  }
0x64: {  	_ =	shalt  }
0x65: {  	_ =	shalt  }
0x66: {  	_ =	shalt  }
0x67: {  	_ =	shalt  }
0x68: {  	_ =	shalt  }
0x69: {  	_ =	shalt  }
0x6a: {  	_ =	shalt  }
0x6b: {  	_ =	shalt  }
0x6c: {  	_ =	shalt  }
0x6d: {  	_ =	shalt  }
0x6e: {  	_ =	shalt  }
0x6f: {  	_ =	shalt  }
0x70: {  	_ =	shalt  }
0x71: {  	_ =	shalt  }
0x72: {  	_ =	shalt  }
0x73: {  	_ =	shalt  }
0x74: {  	_ =	shalt  }
0x75: {  	_ =	shalt  }
0x76: {  	_ =	shalt  }
0x77: {  	_ =	shalt  }
0x78: {  	_ =	shalt  }
0x79: {  	_ =	shalt  }
0x7a: {  	_ =	shalt  }
0x7b: {  	_ =	shalt  }
0x7c: {  	_ =	shalt  }
0x7d: {  	_ =	shalt  }
0x7e: {  	_ =	shalt  }
0x7f: {  	_ =	shalt  }
0x80: {  	_ =	shalt  }
0x81: {  	_ =	shalt  }
0x82: {  	_ =	shalt  }
0x83: {  	_ =	shalt  }
0x84: {  	_ =	shalt  }
0x85: {  	_ =	shalt  }
0x86: {  	_ =	shalt  }
0x87: {  	_ =	shalt  }
.Lfunc_end0:
.L_simem_size_0:
called_computation_lowered:
.L_overlay_start_0:
0x88: {  	s2 =	sld [smem:$0x3FD9]  }
0x89: {  	s3 =	sld [smem:$0x3FFE];
	_ =	sdelay $0x1  }
0x8a: {  	s1 =	srdreg.scid  }
0x8b: {  	s0 =	sand.u32 $0x1, s1  }
0x8c: {  	s18 =	sshll.u32 s0, $0xA;
	s2 =	sadd.s32 s3, s2  }
0x8d: {  	s2 =	sadd.s32 s2, s18  }
0x8e: {  	[smem:$0x3FC5] =	sst s2  }
0x8f: {  	_ = 	snop  }
0x90: {  	s2 =	sld [smem:$0x3FC9]  }
0x91: {  	s19 =	sld [smem:$0x3FC8]  }
0x92: {  	s4 =	sld [smem:$0x3FC7]  }
0x93: {  	s5 =	sld [smem:$0x3FD0];
	(tm) =	ssettm $0x1  }
0x94: {  	s6 =	sld [smem:$0x3FFB];
	_ =	sdelay $0x3  }
0x95: {  	_ =	strace s6  }
0x96: {  	s6 =	sld [smem:$0x3FFC];
	_ =	sdelay $0x3  }
0x97: {  	_ =	strace s6  }
0x98: {  	s6 =	sld [smem:$0x3FFD];
	_ =	sdelay $0x3  }
0x99: {  	_ =	strace s6  }
0x9a: {  	_ =	strace $0x8FFFFFFF  }
0x9b: {  	s20 =	sld [smem:$0x3FDB];
	_ =	sdelay $0x1  }
0x9c: {  	s7 =	simm.s32 $_scs_section_size  }
0x9d: {  	s8 =	simm.s32 $_size__tile_overlayer_lowered;
	s9 =	simm.s32 $_tile_overlayer_lowered  }
0x9e: {  	s23 =	simm.s32 $0x1BFF;
	s22 =	sshll.u32 s9, $0x1;
	s6 =	sadd.s32 s7, s20  }
0x9f: {  	s10 =	simm.s32 $0x0;
	s21 =	sshll.u32 s8, $0x1;
	s8 =	sadd.s32 s22, s6  }
0xa0: {  	[timem:s10], [sflag:s23] =	dma.local [hbm:s8], s21  }
0xa1: {  	_ =	swait.ge [sflag:s23], s21  }
0xa2: {  	s7 =	ssub.s32 $0x0, s21;
	[sflag:s23] =	ssyncset.done $0x0  }
0xa3: {  	[sflag:s23] =	ssyncadd.s32 s7;
	_ =	sdelay $0x1  }
0xa4: {  	s24 =	simm.s32 $0x1B8B  }
0xa5: {  	_ =	swait.ge [sflag:s24], $0x1  }
0xa6: {  	[sflag:s24] =	ssyncset.done $0x0  }
0xa7: {  	s25 =	simm.s32 $0x1B8E;
	[sflag:s24] =	ssyncadd.s32 $0xFFFFFFFF  }
0xa8: {  	s26 =	simm.s32 $execute0_lowered;
	[smem:$0x3FD2] =	sst s25  }
0xa9: {  	s7 =	sshll.u32 s26, $0x1;
	_ =	strace $0x80000046;
	[dreg:$0x1] =	wrdreg $0xFFFFFFFF  }
0xaa: {  	s28 =	simm.s32 $_size_execute0_lowered;
	s6 =	sadd.s32 s6, s7;
	[dreg:$0x0] =	wrdreg $0x0  }
0xab: {  	s7 =	sshll.u32 s28, $0x1;
	[dreg:$0x2] =	wrdreg s6  }
0xac: {  	[dreg:$0x3] =	wrdreg s7  }
0xad: {  	[dreg:$0x4] =	wrdreg $0xC0  }
0xae: {  	_ =	task [dreg:s10], $0x5FFFF  }
0xaf: {  	[dreg:$0x1] =	wrdreg $0xFFFFFFFF  }
0xb0: {  	[dreg:$0x0] =	wrdreg $0x60  }
0xb1: {  	[dreg:$0x2] =	wrdreg s2  }
0xb2: {  	[dreg:$0x3] =	wrdreg s19  }
0xb3: {  	[dreg:$0x4] =	wrdreg s4  }
0xb4: {  	[dreg:$0x5] =	wrdreg s5  }
0xb5: {  	[dreg:$0x6] =	wrdreg $0x9  }
0xb6: {  	_ =	task.clear_ibuf [dreg:s10], $0x7FFFF;
	_ =	strace $0x90000046  }
0xb7: {  	s29 =	simm.s32 $0x9;
	_ =	strace $0x80000048  }
0xb8: {  	_ =	swait.ge [sflag:s29], $0x1  }
0xb9: {  	[sflag:s29] =	ssyncadd.s32 $0xFFFFFFFF  }
0xba: {  	_ =	strace $0x90000048  }
0xbb: {  	_ =	sfence  }
0xbc: {  	s30 =	sld [smem:$0x0];
	_ =	sdelay $0x2  }
0xbd: {  	s31 =	sshll.u32 s1, $0xD;
	s1 =	sshrl.u32 s1, $0x2  }
0xbe: {  	s3 =	sand.u32 $0x4000, s31;
	s1 =	sadd.s32 s1, s30  }
0xbf: {  	s0 =	sor.u32 s3, s0;
	s1 =	sshll.u32 s1, $0x11  }
0xc0: {  	s0 =	sor.u32 s1, s0  }
0xc1: {  	s0 =	sadd.s32 $0x8F2B, s0  }
0xc2: {  	[sflag:s0] =	ssyncadd.remote.s32 $0x1  }
0xc3: {  	_ =	sfence.sel $0xFFFF  }
0xc4: {  	[dreg:$0x0] =	wrdreg $0xFFFFFFFF;
	(pc) =	sbr.abs _section_cstart, $3  }
0xc5: {  	[dreg:$0x1] =	wrdreg $0xFFFFFFFF  }
0xc6: {  	_ =	task.clear_ibuf [dreg:s10], $0x2FFFF;
	_ =	strace $0x9FFFFFFF  }
0xc7: {  	(tm) =	ssettm $0x7FFFFFFF  }
tec
execute0_lowered:
.L_overlay_start_1:
0x0: {  	(tag) =	ssettag $0x1  }
0x1: {  	s1 =	rddreg [dreg:$0x0]  }
0x2: {  	s0 =	srdreg.scid;
	s2 =	rddreg [dreg:$0x2]  }
0x3: {  	s7 =	stileid.u32;
	s5 =	rddreg [dreg:$0x3]  }
0x4: {  	s4 =	simm.s32 $0x0;
	s12 =	simm.s32 $0xFC00;
	s13 =	simm.s32 $0x10400  }
0x5: {  	s14 =	simm.s32 $0x10C00;
	s15 =	simm.s32 $0x11400;
	s16 =	simm.s32 $0x11C00  }
0x6: {  	s17 =	simm.s32 $0x12400;
	s18 =	simm.s32 $0x12C00;
	s19 =	simm.s32 $0x13400  }
0x7: {  	s20 =	simm.s32 $0x13C00;
	s21 =	simm.s32 $0x14400;
	[smem:$0x7FF] =	sst s4  }
0x8: {  	s22 =	simm.s32 $0x14C00;
	_ =	strace $0x80000047;
	[dreg:$0x6] =	wrdreg s12  }
0x9: {  	s23 =	simm.s32 $0x15400;
	s24 =	simm.s32 $0x15C00;
	[dreg:$0x7] =	wrdreg s13  }
0xa: {  	s25 =	simm.s32 $0x16400;
	s26 =	simm.s32 $0x16C00;
	[dreg:$0x8] =	wrdreg s14  }
0xb: {  	s28 =	simm.s32 $0xF400;
	s29 =	simm.s32 $0x2;
	[dreg:$0x9] =	wrdreg s15  }
0xc: {  	s30 =	simm.s32 $0x1;
	s31 =	simm.s32 $0x0;
	[dreg:$0xa] =	wrdreg s16  }
0xd: {  	s0 =	sand.u32 $0x1, s0;
	s3 =	sshll.u32 s7, $0x1;
	[dreg:$0xb] =	wrdreg s17  }
0xe: {  	s7 =	smul.u32 $0x24A0, s7;
	s3 =	sor.u32 s0, s3;
	[dreg:$0xc] =	wrdreg s18  }
0xf: {  	s6 =	ssub.s32 $0x2, s0;
	s0 =	smul.u32 $0x1250, s0;
	[dreg:$0xd] =	wrdreg s19  }
0x10: {  	s12 =	simm.s32 $0x7C00;
	s13 =	simm.s32 $0x8400;
	[dreg:$0xe] =	wrdreg s20  }
0x11: {  	s14 =	simm.s32 $0x8C00;
	s15 =	simm.s32 $0x9400;
	[dreg:$0xf] =	wrdreg s21  }
0x12: {  	s16 =	simm.s32 $0x9C00;
	s17 =	simm.s32 $0xA400;
	[dreg:$0x10] =	wrdreg s22  }
0x13: {  	s18 =	simm.s32 $0xAC00;
	s19 =	simm.s32 $0xB400;
	[dreg:$0x11] =	wrdreg s23  }
0x14: {  	s20 =	simm.s32 $0xBC00;
	s21 =	simm.s32 $0xC400;
	[dreg:$0x12] =	wrdreg s24  }
0x15: {  	s22 =	simm.s32 $0xCC00;
	[dreg:$0x13] =	wrdreg s25;
	s23 =	simm.s32 $0xD400  }
0x16: {  	s24 =	simm.s32 $0xDC00;
	[dreg:$0x14] =	wrdreg s26;
	s3 =	smul.u32 $0x1250, s3  }
0x17: {  	s25 =	simm.s32 $0xE400;
	s26 =	simm.s32 $0xEC00;
	s8 =	sshrl.u32 s6, $0x1  }
0x18: {  	s6 =	ssub.s32 s6, s8;
	s0 =	sadd.s32 s0, s7;
	s3 =	smin.u32 s3, $0x23770  }
0x19: {  	s0 =	smin.u32 s0, $0x23770;
	s11 =	smax.u32 s6, $0x1;
	s9 =	sshrl.u32 s3, $0x3  }
0x1a: {  	s3 =	sshll.u32 s3, $0x5;
	[dreg:$0x16] =	wrdreg s11;
	s2 =	sadd.s32 s2, s9  }
0x1b: {  	v0 =	vimm.s32 $0x1FFF;
	v1 =	vimm.s32 $0x2000;
	v5 =	vlaneseq.u32;
	s0 =	sshll.u32 s0, $0x5;
	s10 =	sadd.s32 s5, s3;
	[dreg:$0x15] =	wrdreg s2  }
0x1c: {  	v2 =	vimm.s32 $0x0;
	vm0 =	vmmov $0xffff;
	v4 =	vshrl.u32 v5, $0x3;
	s8 =	simm.s32 $0x3;
	s0 =	sadd.s32 s0, s5;
	[dreg:$0x5] =	wrdreg s10  }
0x1d: {  	v3 =	vand.u32 $0x7, v5;
	v5 =	vor.u32 $0x8, v5;
	v4 =	vmul.u32 $0x8, v4;
	s11 =	simm.s32 $0x7400;
	[dreg:$0x17] =	wrdreg s0;
	s10 =	simm.s32 $0x2780  }
.LBB2_1:
0x1e: {  	s0 =	rddreg [dreg:$0x1]  }
0x1f: {  	[tilespmem:s4], [sflag:$0x3] =	stream.linear.gather [hbm4b:s0+s4], $0x2780, $0x38;
	[tilespmem:$0x17400] =	vst v63  }
0x20: {  	_ =	swait.ge [sflag:s8], $0x2780  }
0x21: {  	[sflag:s8] =	ssyncset.done $0x0  }
0x22: {  	s2 =	simm.s32 $0x4F00;
	s9 =	rddreg [dreg:$0x15];
	[sflag:s8] =	ssyncadd.s32 $0xFFFFD880  }
0x23: {  	[tilespmem:s2], [sflag:$0x3] =	stream.linear.gather [hbm4b:s9+s4], $0x1280, $0x38;
	[tilespmem:$0x17400] =	vst v63  }
0x24: {  	_ =	swait.ge [sflag:s8], $0x1280  }
0x25: {  	[sflag:s8] =	ssyncset.done $0x0  }
0x26: {  	s3 =	simm.s32 $0x0;
	[sflag:s8] =	ssyncadd.s32 $0xFFFFED80  }
0x27: {  	s2 =	simm.s32 $0x10;
	v6 =	vld [tilespmem:s3+$0x0]  }
0x28: {  	v7 =	vld [tilespmem:s2+$0x0];
	_ =	sdelay $0x3  }
0x29: {  	(xrf0) =	vadd.scan.msk.s32 $0xffff, v6  }
0x2a: {  	(xrf0) =	vadd.scan.msk.s32 $0xffff, v7;
	_ =	sdelay $0x4  }
0x2b: {  	s7 =	simm.s32 $0x20;
	v7, _, _ =	vpop (xrf0)  }
0x2c: {  	v8 =	vld [tilespmem:s7+$0x0];
	(v2sf) =	vpush v7, $0xF;
	v6, _, _ =	vpop (xrf0)  }
0x2d: {  	(v2sf) =	vpush v6, $0xF;
	_ =	sdelay $0x3  }
0x2e: {  	s9 =	simm.s32 $0x30;
	(xrf0) =	vadd.scan.msk.s32 $0xffff, v8  }
0x2f: {  	v8 =	vld [tilespmem:s9+$0x0];
	_ =	sdelay $0x3  }
0x30: {  	s6 =	simm.s32 $0x100;
	s5 =	simm.s32 $0x0  }
.LBB2_2:
0x31: {  	s0 =	sshra.s32 s6, $0x2;
	p0 =	seq.s32 s6, $0x9C00;
	s6 =	sadd.s32 $0x40, s6;
	(xrf0) =	vadd.scan.msk.s32 $0xffff, v8;
	v9 =	vadd.s32 s5, v7;
	v7 =	vmov v6;
	v6, _, _ =	vpop (xrf0)  }
.Ltmp0:
0x32: {  	v8 =	vld [tilespmem:s0+$0x0];
	(v2sf) =	vpush v6, $0xF;
	[tilespmem:s3+$0x2780] =	vst v9;
	s3 =	smov.u32 s2;
	s2 =	smov.u32 s7;
	(pc) =	sbr.rel @!p0 .LBB2_2-.Ltmp0, $3  }
0x33: {  	s7 =	smov.u32 s9;
	s9 =	smov.u32 s0;
	_ =	sdelay $0x1  }
0x34: {  	s0 =	spop (v2sf)  }
0x35: {  	s5 =	sadd.s32 s5, s0  }
0x36: {  	(xrf0) =	vadd.scan.msk.s32 $0xffff, v8;
	_ =	sdelay $0x4  }
0x37: {  	v8, _, _ =	vpop (xrf0)  }
0x38: {  	(v2sf) =	vpush v8, $0xF;
	v9, _, _ =	vpop (xrf0)  }
0x39: {  	(v2sf) =	vpush v9, $0xF;
	_ =	sdelay $0xa  }
0x3a: {  	s0 =	spop (v2sf)  }
0x3b: {  	v7 =	vadd.s32 s5, v7;
	s0 =	sadd.s32 s5, s0;
	s6 =	spop (v2sf)  }
0x3c: {  	[tilespmem:s3+$0x2780] =	vst v7;
	v6 =	vadd.s32 s0, v6;
	s0 =	sadd.s32 s0, s6  }
0x3d: {  	[tilespmem:s2+$0x2780] =	vst v6;
	v6 =	vadd.s32 s0, v8;
	s6 =	spop (v2sf)  }
0x3e: {  	[tilespmem:s7+$0x2780] =	vst v6;
	s0 =	sadd.s32 s0, s6;
	s7 =	spop (v2sf)  }
0x3f: {  	s2 =	sadd.s32 s0, s7  }
0x40: {  	v6 =	vadd.s32 s0, v9;
	s2 =	sadd.s32 $0xFFFFFFFF, s2  }
0x41: {  	[tilespmem:s9+$0x2780] =	vst v6;
	v6 =	vmov s2;
	s2 =	simm.s32 $0x0  }
.LBB2_4:
0x42: {  	s3 =	sshra.s32 s2, $0x2  }
0x43: {  	v7 =	vld [tilespmem:s3+$0x4F00];
	_ =	sdelay $0x3  }
0x44: {  	v8 =	vld.idx.msk [tilespmem:v0+s10+$0x0], $0xffff  }
0x45: {  	vm1 =	vgt.s32 v7, $0x0  }
0x46: {  	v7 =	vnsel vm1, $0x0, v7  }
0x47: {  	vm1 =	vlt.s32 v7, v6  }
0x48: {  	v7 =	vsel vm1, v7, v6  }
0x49: {  	vm1 =	vgt.s32 v8, v7  }
0x4a: {  	v8 =	vsel vm1, $0x0, v1  }
0x4b: {  	v9 =	vor.u32 $0xFFF, v8  }
0x4c: {  	v9 =	vmin.u32 v9, $0x270F;
	_ =	sdelay $0x4  }
0x4d: {  	v9 =	vld.idx.msk [tilespmem:v9+s10+$0x0], $0xffff;
	_ =	sdelay $0x3  }
0x4e: {  	v10 =	vor.u32 $0x1000, v8  }
0x4f: {  	vm1 =	vlt.u32 v10, $0x2711;
	vm2 =	vle.s32 v9, v7  }
0x50: {  	vm1 =	vmand vm2, vm1  }
0x51: {  	v8 =	vsel vm1, v10, v8  }
0x52: {  	v52 =	vor.u32 $0x7FF, v8  }
0x53: {  	v9 =	vmin.u32 v52, $0x270F;
	_ =	sdelay $0x4  }
0x54: {  	v9 =	vld.idx.msk [tilespmem:v9+s10+$0x0], $0xffff;
	_ =	sdelay $0x3  }
0x55: {  	v10 =	vor.u32 $0x800, v8  }
0x56: {  	vm1 =	vlt.u32 v10, $0x2711;
	vm2 =	vle.s32 v9, v7  }
0x57: {  	vm1 =	vmand vm2, vm1  }
0x58: {  	v8 =	vsel vm1, v10, v8  }
0x59: {  	v53 =	vor.u32 $0x3FF, v8  }
0x5a: {  	v9 =	vmin.u32 v53, $0x270F;
	_ =	sdelay $0x4  }
0x5b: {  	v9 =	vld.idx.msk [tilespmem:v9+s10+$0x0], $0xffff;
	_ =	sdelay $0x3  }
0x5c: {  	v10 =	vor.u32 $0x400, v8  }
0x5d: {  	vm1 =	vlt.u32 v10, $0x2711;
	vm2 =	vle.s32 v9, v7  }
0x5e: {  	vm1 =	vmand vm2, vm1  }
0x5f: {  	v8 =	vsel vm1, v10, v8  }
0x60: {  	v54 =	vmin.u32 v8, $0x2510  }
0x61: {  	v9 =	vadd.s32 $0x1FF, v54;
	_ =	sdelay $0x4  }
0x62: {  	v9 =	vld.idx.msk [tilespmem:v9+s10+$0x0], $0xffff;
	_ =	sdelay $0x4  }
0x63: {  	vm1 =	vlt.u32 v8, $0x2511;
	vm2 =	vle.s32 v9, v7  }
0x64: {  	v55 =	vadd.s32 $0x200, v8;
	vm1 =	vmand vm2, vm1  }
0x65: {  	v8 =	vsel vm1, v55, v8  }
0x66: {  	v9 =	vmin.u32 v8, $0x2610  }
0x67: {  	v9 =	vadd.s32 $0xFF, v9;
	_ =	sdelay $0x4  }
0x68: {  	v9 =	vld.idx.msk [tilespmem:v9+s10+$0x0], $0xffff;
	_ =	sdelay $0x4  }
0x69: {  	vm1 =	vlt.u32 v8, $0x2611;
	vm2 =	vle.s32 v9, v7  }
0x6a: {  	v56 =	vadd.s32 $0x100, v8;
	vm1 =	vmand vm2, vm1  }
0x6b: {  	v8 =	vsel vm1, v56, v8  }
0x6c: {  	v9 =	vmin.u32 v8, $0x2690  }
0x6d: {  	v9 =	vadd.s32 $0x7F, v9;
	_ =	sdelay $0x4  }
0x6e: {  	v9 =	vld.idx.msk [tilespmem:v9+s10+$0x0], $0xffff;
	_ =	sdelay $0x4  }
0x6f: {  	vm1 =	vlt.u32 v8, $0x2691;
	vm2 =	vle.s32 v9, v7  }
0x70: {  	v57 =	vadd.s32 $0x80, v8;
	vm1 =	vmand vm2, vm1  }
0x71: {  	v8 =	vsel vm1, v57, v8  }
0x72: {  	v9 =	vmin.u32 v8, $0x26D0  }
0x73: {  	v9 =	vadd.s32 $0x3F, v9;
	_ =	sdelay $0x4  }
0x74: {  	v9 =	vld.idx.msk [tilespmem:v9+s10+$0x0], $0xffff;
	_ =	sdelay $0x4  }
0x75: {  	vm1 =	vlt.u32 v8, $0x26D1;
	vm2 =	vle.s32 v9, v7  }
0x76: {  	v58 =	vadd.s32 $0x40, v8;
	vm1 =	vmand vm2, vm1  }
0x77: {  	v8 =	vsel vm1, v58, v8  }
0x78: {  	v9 =	vmin.u32 v8, $0x26F0  }
0x79: {  	v9 =	vadd.s32 $0x1F, v9;
	_ =	sdelay $0x4  }
0x7a: {  	v9 =	vld.idx.msk [tilespmem:v9+s10+$0x0], $0xffff;
	_ =	sdelay $0x4  }
0x7b: {  	vm1 =	vlt.u32 v8, $0x26F1;
	vm2 =	vle.s32 v9, v7  }
0x7c: {  	v59 =	vadd.s32 $0x20, v8;
	vm1 =	vmand vm2, vm1  }
0x7d: {  	v8 =	vsel vm1, v59, v8  }
0x7e: {  	v9 =	vmin.u32 v8, $0x2700  }
0x7f: {  	v9 =	vadd.s32 $0xF, v9;
	_ =	sdelay $0x4  }
0x80: {  	v9 =	vld.idx.msk [tilespmem:v9+s10+$0x0], $0xffff;
	_ =	sdelay $0x4  }
0x81: {  	vm1 =	vlt.u32 v8, $0x2701;
	vm2 =	vle.s32 v9, v7  }
0x82: {  	v60 =	vadd.s32 $0x10, v8;
	vm1 =	vmand vm2, vm1  }
0x83: {  	v8 =	vsel vm1, v60, v8  }
0x84: {  	v9 =	vmin.u32 v8, $0x2708  }
0x85: {  	v9 =	vadd.s32 $0x7, v9;
	_ =	sdelay $0x4  }
0x86: {  	v9 =	vld.idx.msk [tilespmem:v9+s10+$0x0], $0xffff;
	_ =	sdelay $0x4  }
0x87: {  	vm1 =	vlt.u32 v8, $0x2709;
	vm2 =	vle.s32 v9, v7  }
0x88: {  	v61 =	vadd.s32 $0x8, v8;
	vm1 =	vmand vm2, vm1  }
0x89: {  	v8 =	vsel vm1, v61, v8  }
0x8a: {  	v9 =	vmin.u32 v8, $0x270C  }
0x8b: {  	v9 =	vadd.s32 $0x3, v9;
	_ =	sdelay $0x4  }
0x8c: {  	v9 =	vld.idx.msk [tilespmem:v9+s10+$0x0], $0xffff;
	_ =	sdelay $0x4  }
0x8d: {  	vm1 =	vlt.u32 v8, $0x270D;
	vm2 =	vle.s32 v9, v7  }
0x8e: {  	v62 =	vadd.s32 $0x4, v8;
	vm1 =	vmand vm2, vm1  }
0x8f: {  	v8 =	vsel vm1, v62, v8  }
0x90: {  	v9 =	vmin.u32 v8, $0x270E  }
0x91: {  	v9 =	vadd.s32 $0x1, v9;
	_ =	sdelay $0x4  }
0x92: {  	v9 =	vld.idx.msk [tilespmem:v9+s10+$0x0], $0xffff;
	_ =	sdelay $0x4  }
0x93: {  	vm1 =	vlt.u32 v8, $0x270F;
	vm2 =	vle.s32 v9, v7  }
0x94: {  	v63 =	vadd.s32 $0x2, v8;
	vm1 =	vmand vm2, vm1  }
0x95: {  	v8 =	vsel vm1, v63, v8  }
0x96: {  	v9 =	vmin.u32 v8, $0x270F;
	_ =	sdelay $0x4  }
0x97: {  	v9 =	vld.idx.msk [tilespmem:v9+s10+$0x0], $0xffff;
	_ =	sdelay $0x3  }
0x98: {  	p0 =	sne.s32 s2, $0x49C0  }
.Ltmp1:
0x99: {  	vm1 =	vlt.u32 v8, $0x2710;
	vm2 =	vle.s32 v9, v7;
	(pc) =	sbr.rel @p0 .LBB2_4-.Ltmp1, $4  }
0x9a: {  	vm1 =	vmand vm2, vm1  }
0x9b: {  	v7 =	vsel vm1, $0x1, v2  }
0x9c: {  	v7 =	vadd.s32 v7, v8  }
0x9d: {  	s2 =	sadd.s32 $0x40, s2;
	[tilespmem:s3+$0x6180] =	vst v7  }
0x9e: {  	v6 =	vld [tilespmem:$0x6180];
	_ =	sdelay $0x4  }
0x9f: {  	v7 =	vshll.u32 v6, $0x1  }
0xa0: {  	v6 =	vand.u32 $0x7, v6;
	v7 =	vand.u32 $0xFFFFFFF0, v7  }
0xa1: {  	v6 =	vor.u32 v6, v7  }
0xa2: {  	v7 =	vperm.xlane v6, v3;
	_ =	sdelay $0x1  }
0xa3: {  	v6 =	vperm.xlane v6, v5;
	v7 =	vadd.s32 v4, v7;
	_ =	sdelay $0x1  }
0xa4: {  	v6 =	vadd.s32 v4, v6;
	_ =	sdelay $0x2  }
0xa5: {  	[tilespmem:s11], [sflag:$0x1] =	stream.indirect_vreg.gather [hbm4b:s1+s4], $0x80, v7, vm0, $0xb8;
	[tilespmem:$0x17400] =	vst v63  }
0xa6: {  	_ = 	snop  }
0xa7: {  	[tilespmem:s12], [sflag:$0x1] =	stream.indirect_vreg.gather [hbm4b:s1+s4], $0x80, v6, vm0, $0xb8;
	[tilespmem:$0x17400] =	vst v63  }
0xa8: {  	v6 =	vld [tilespmem:$0x6190];
	_ =	sdelay $0x4  }
0xa9: {  	v7 =	vshll.u32 v6, $0x1  }
0xaa: {  	v6 =	vand.u32 $0x7, v6;
	v7 =	vand.u32 $0xFFFFFFF0, v7  }
0xab: {  	v6 =	vor.u32 v6, v7  }
0xac: {  	v7 =	vperm.xlane v6, v3;
	_ =	sdelay $0x1  }
0xad: {  	v6 =	vperm.xlane v6, v5;
	v7 =	vadd.s32 v4, v7;
	_ =	sdelay $0x1  }
0xae: {  	v6 =	vadd.s32 v4, v6;
	_ =	sdelay $0x2  }
0xaf: {  	[tilespmem:s13], [sflag:$0x1] =	stream.indirect_vreg.gather [hbm4b:s1+s4], $0x80, v7, vm0, $0xb8;
	[tilespmem:$0x17400] =	vst v63  }
0xb0: {  	_ = 	snop  }
0xb1: {  	[tilespmem:s14], [sflag:$0x1] =	stream.indirect_vreg.gather [hbm4b:s1+s4], $0x80, v6, vm0, $0xb8;
	[tilespmem:$0x17400] =	vst v63  }
0xb2: {  	v6 =	vld [tilespmem:$0x61A0];
	_ =	sdelay $0x4  }
0xb3: {  	v7 =	vshll.u32 v6, $0x1  }
0xb4: {  	v6 =	vand.u32 $0x7, v6;
	v7 =	vand.u32 $0xFFFFFFF0, v7  }
0xb5: {  	v6 =	vor.u32 v6, v7  }
0xb6: {  	v7 =	vperm.xlane v6, v3;
	_ =	sdelay $0x1  }
0xb7: {  	v6 =	vperm.xlane v6, v5;
	v7 =	vadd.s32 v4, v7;
	_ =	sdelay $0x1  }
0xb8: {  	v6 =	vadd.s32 v4, v6;
	_ =	sdelay $0x2  }
0xb9: {  	[tilespmem:s15], [sflag:$0x1] =	stream.indirect_vreg.gather [hbm4b:s1+s4], $0x80, v7, vm0, $0xb8;
	[tilespmem:$0x17400] =	vst v63  }
0xba: {  	_ = 	snop  }
0xbb: {  	[tilespmem:s16], [sflag:$0x1] =	stream.indirect_vreg.gather [hbm4b:s1+s4], $0x80, v6, vm0, $0xb8;
	[tilespmem:$0x17400] =	vst v63  }
0xbc: {  	v6 =	vld [tilespmem:$0x61B0];
	_ =	sdelay $0x4  }
0xbd: {  	v7 =	vshll.u32 v6, $0x1  }
0xbe: {  	v6 =	vand.u32 $0x7, v6;
	v7 =	vand.u32 $0xFFFFFFF0, v7  }
0xbf: {  	v6 =	vor.u32 v6, v7  }
0xc0: {  	v7 =	vperm.xlane v6, v3;
	_ =	sdelay $0x1  }
0xc1: {  	v6 =	vperm.xlane v6, v5;
	v7 =	vadd.s32 v4, v7;
	_ =	sdelay $0x1  }
0xc2: {  	v6 =	vadd.s32 v4, v6;
	_ =	sdelay $0x2  }
0xc3: {  	[tilespmem:s17], [sflag:$0x1] =	stream.indirect_vreg.gather [hbm4b:s1+s4], $0x80, v7, vm0, $0xb8;
	[tilespmem:$0x17400] =	vst v63  }
0xc4: {  	_ = 	snop  }
0xc5: {  	[tilespmem:s18], [sflag:$0x1] =	stream.indirect_vreg.gather [hbm4b:s1+s4], $0x80, v6, vm0, $0xb8;
	[tilespmem:$0x17400] =	vst v63  }
0xc6: {  	v6 =	vld [tilespmem:$0x61C0];
	_ =	sdelay $0x4  }
0xc7: {  	v7 =	vshll.u32 v6, $0x1  }
0xc8: {  	v6 =	vand.u32 $0x7, v6;
	v7 =	vand.u32 $0xFFFFFFF0, v7  }
0xc9: {  	v6 =	vor.u32 v6, v7  }
0xca: {  	v7 =	vperm.xlane v6, v3;
	_ =	sdelay $0x1  }
0xcb: {  	v6 =	vperm.xlane v6, v5;
	v7 =	vadd.s32 v4, v7;
	_ =	sdelay $0x1  }
0xcc: {  	v6 =	vadd.s32 v4, v6;
	_ =	sdelay $0x2  }
0xcd: {  	[tilespmem:s19], [sflag:$0x1] =	stream.indirect_vreg.gather [hbm4b:s1+s4], $0x80, v7, vm0, $0xb8;
	[tilespmem:$0x17400] =	vst v63  }
0xce: {  	_ = 	snop  }
0xcf: {  	[tilespmem:s20], [sflag:$0x1] =	stream.indirect_vreg.gather [hbm4b:s1+s4], $0x80, v6, vm0, $0xb8;
	[tilespmem:$0x17400] =	vst v63  }
0xd0: {  	v6 =	vld [tilespmem:$0x61D0];
	_ =	sdelay $0x4  }
0xd1: {  	v7 =	vshll.u32 v6, $0x1  }
0xd2: {  	v6 =	vand.u32 $0x7, v6;
	v7 =	vand.u32 $0xFFFFFFF0, v7  }
0xd3: {  	v6 =	vor.u32 v6, v7  }
0xd4: {  	v7 =	vperm.xlane v6, v3;
	_ =	sdelay $0x1  }
0xd5: {  	v6 =	vperm.xlane v6, v5;
	v7 =	vadd.s32 v4, v7;
	_ =	sdelay $0x1  }
0xd6: {  	v6 =	vadd.s32 v4, v6;
	_ =	sdelay $0x2  }
0xd7: {  	[tilespmem:s21], [sflag:$0x1] =	stream.indirect_vreg.gather [hbm4b:s1+s4], $0x80, v7, vm0, $0xb8;
	[tilespmem:$0x17400] =	vst v63  }
0xd8: {  	_ = 	snop  }
0xd9: {  	[tilespmem:s22], [sflag:$0x1] =	stream.indirect_vreg.gather [hbm4b:s1+s4], $0x80, v6, vm0, $0xb8;
	[tilespmem:$0x17400] =	vst v63  }
0xda: {  	v6 =	vld [tilespmem:$0x61E0];
	_ =	sdelay $0x4  }
0xdb: {  	v7 =	vshll.u32 v6, $0x1  }
0xdc: {  	v6 =	vand.u32 $0x7, v6;
	v7 =	vand.u32 $0xFFFFFFF0, v7  }
0xdd: {  	v6 =	vor.u32 v6, v7  }
0xde: {  	v7 =	vperm.xlane v6, v3;
	_ =	sdelay $0x1  }
0xdf: {  	v6 =	vperm.xlane v6, v5;
	v7 =	vadd.s32 v4, v7;
	_ =	sdelay $0x1  }
0xe0: {  	v6 =	vadd.s32 v4, v6;
	_ =	sdelay $0x2  }
0xe1: {  	[tilespmem:s23], [sflag:$0x1] =	stream.indirect_vreg.gather [hbm4b:s1+s4], $0x80, v7, vm0, $0xb8;
	[tilespmem:$0x17400] =	vst v63  }
0xe2: {  	_ = 	snop  }
0xe3: {  	[tilespmem:s24], [sflag:$0x1] =	stream.indirect_vreg.gather [hbm4b:s1+s4], $0x80, v6, vm0, $0xb8;
	[tilespmem:$0x17400] =	vst v63  }
0xe4: {  	v6 =	vld [tilespmem:$0x61F0];
	_ =	sdelay $0x4  }
0xe5: {  	v7 =	vshll.u32 v6, $0x1  }
0xe6: {  	v6 =	vand.u32 $0x7, v6;
	v7 =	vand.u32 $0xFFFFFFF0, v7  }
0xe7: {  	v6 =	vor.u32 v6, v7  }
0xe8: {  	v7 =	vperm.xlane v6, v3;
	_ =	sdelay $0x1  }
0xe9: {  	v6 =	vperm.xlane v6, v5;
	v7 =	vadd.s32 v4, v7;
	_ =	sdelay $0x1  }
0xea: {  	v6 =	vadd.s32 v4, v6;
	_ =	sdelay $0x2  }
0xeb: {  	[tilespmem:s25], [sflag:$0x1] =	stream.indirect_vreg.gather [hbm4b:s1+s4], $0x80, v7, vm0, $0xb8;
	[tilespmem:$0x17400] =	vst v63  }
0xec: {  	s3 =	simm.s32 $0x1  }
0xed: {  	[tilespmem:s26], [sflag:$0x1] =	stream.indirect_vreg.gather [hbm4b:s1+s4], $0x80, v6, vm0, $0xb8;
	[tilespmem:$0x17400] =	vst v63  }
0xee: {  	_ =	swait.ge [sflag:s3], $0x8000  }
0xef: {  	[sflag:s3] =	ssyncset.done $0x0  }
0xf0: {  	s7 =	rddreg [dreg:$0x17];
	[sflag:s3] =	ssyncadd.s32 $0xFFFF8000  }
.LBB2_6:
0xf1: {  	s2 =	smin.u32 s3, $0x24  }
0xf2: {  	s9 =	sshll.u32 s2, $0x7  }
0xf3: {  	v6 =	vld [tilespmem:s9+$0x6180];
	_ =	sdelay $0x4  }
0xf4: {  	v7 =	vshll.u32 v6, $0x1  }
0xf5: {  	v6 =	vand.u32 $0x7, v6;
	v7 =	vand.u32 $0xFFFFFFF0, v7  }
0xf6: {  	v6 =	vor.u32 v6, v7  }
0xf7: {  	v7 =	vperm.xlane v6, v3;
	_ =	sdelay $0x1  }
0xf8: {  	v6 =	vperm.xlane v6, v5;
	v7 =	vadd.s32 v4, v7;
	_ =	sdelay $0x1  }
0xf9: {  	v6 =	vadd.s32 v4, v6;
	_ =	sdelay $0x2  }
0xfa: {  	[tilespmem:s28], [sflag:$0x2] =	stream.indirect_vreg.gather [hbm4b:s1+s4], $0x80, v7, vm0, $0xb8;
	[tilespmem:$0x17400] =	vst v63  }
0xfb: {  	s0 =	rddreg [dreg:$0x6]  }
0xfc: {  	[tilespmem:s0], [sflag:$0x2] =	stream.indirect_vreg.gather [hbm4b:s1+s4], $0x80, v6, vm0, $0xb8;
	[tilespmem:$0x17400] =	vst v63  }
0xfd: {  	v6 =	vld [tilespmem:s9+$0x6190];
	_ =	sdelay $0x4  }
0xfe: {  	v7 =	vshll.u32 v6, $0x1  }
0xff: {  	v6 =	vand.u32 $0x7, v6;
	v7 =	vand.u32 $0xFFFFFFF0, v7  }
0x100: {  	v6 =	vor.u32 v6, v7  }
0x101: {  	v7 =	vperm.xlane v6, v3;
	_ =	sdelay $0x1  }
0x102: {  	v6 =	vperm.xlane v6, v5;
	v7 =	vadd.s32 v4, v7;
	_ =	sdelay $0x1  }
0x103: {  	v6 =	vadd.s32 v4, v6;
	_ =	sdelay $0x1  }
0x104: {  	s6 =	rddreg [dreg:$0x7]  }
0x105: {  	[tilespmem:s6], [sflag:$0x2] =	stream.indirect_vreg.gather [hbm4b:s1+s4], $0x80, v7, vm0, $0xb8;
	[tilespmem:$0x17400] =	vst v63  }
0x106: {  	s5 =	rddreg [dreg:$0x8]  }
0x107: {  	[tilespmem:s5], [sflag:$0x2] =	stream.indirect_vreg.gather [hbm4b:s1+s4], $0x80, v6, vm0, $0xb8;
	[tilespmem:$0x17400] =	vst v63  }
0x108: {  	v6 =	vld [tilespmem:s9+$0x61A0];
	_ =	sdelay $0x4  }
0x109: {  	v7 =	vshll.u32 v6, $0x1  }
0x10a: {  	v6 =	vand.u32 $0x7, v6;
	v7 =	vand.u32 $0xFFFFFFF0, v7  }
0x10b: {  	v6 =	vor.u32 v6, v7  }
0x10c: {  	v7 =	vperm.xlane v6, v3;
	_ =	sdelay $0x1  }
0x10d: {  	v6 =	vperm.xlane v6, v5;
	v7 =	vadd.s32 v4, v7;
	_ =	sdelay $0x1  }
0x10e: {  	v6 =	vadd.s32 v4, v6;
	_ =	sdelay $0x1  }
0x10f: {  	s5 =	rddreg [dreg:$0x9]  }
0x110: {  	[tilespmem:s5], [sflag:$0x2] =	stream.indirect_vreg.gather [hbm4b:s1+s4], $0x80, v7, vm0, $0xb8;
	[tilespmem:$0x17400] =	vst v63  }
0x111: {  	s6 =	rddreg [dreg:$0xa]  }
0x112: {  	[tilespmem:s6], [sflag:$0x2] =	stream.indirect_vreg.gather [hbm4b:s1+s4], $0x80, v6, vm0, $0xb8;
	[tilespmem:$0x17400] =	vst v63  }
0x113: {  	v6 =	vld [tilespmem:s9+$0x61B0];
	_ =	sdelay $0x4  }
0x114: {  	v7 =	vshll.u32 v6, $0x1  }
0x115: {  	v6 =	vand.u32 $0x7, v6;
	v7 =	vand.u32 $0xFFFFFFF0, v7  }
0x116: {  	v6 =	vor.u32 v6, v7  }
0x117: {  	v7 =	vperm.xlane v6, v3;
	_ =	sdelay $0x1  }
0x118: {  	v6 =	vperm.xlane v6, v5;
	v7 =	vadd.s32 v4, v7;
	_ =	sdelay $0x1  }
0x119: {  	v6 =	vadd.s32 v4, v6;
	_ =	sdelay $0x1  }
0x11a: {  	s5 =	rddreg [dreg:$0xb]  }
0x11b: {  	[tilespmem:s5], [sflag:$0x2] =	stream.indirect_vreg.gather [hbm4b:s1+s4], $0x80, v7, vm0, $0xb8;
	[tilespmem:$0x17400] =	vst v63  }
0x11c: {  	s6 =	rddreg [dreg:$0xc]  }
0x11d: {  	[tilespmem:s6], [sflag:$0x2] =	stream.indirect_vreg.gather [hbm4b:s1+s4], $0x80, v6, vm0, $0xb8;
	[tilespmem:$0x17400] =	vst v63  }
0x11e: {  	v6 =	vld [tilespmem:s9+$0x61C0];
	_ =	sdelay $0x4  }
0x11f: {  	v7 =	vshll.u32 v6, $0x1  }
0x120: {  	v6 =	vand.u32 $0x7, v6;
	v7 =	vand.u32 $0xFFFFFFF0, v7  }
0x121: {  	v6 =	vor.u32 v6, v7  }
0x122: {  	v7 =	vperm.xlane v6, v3;
	_ =	sdelay $0x1  }
0x123: {  	v6 =	vperm.xlane v6, v5;
	v7 =	vadd.s32 v4, v7;
	_ =	sdelay $0x1  }
0x124: {  	v6 =	vadd.s32 v4, v6;
	_ =	sdelay $0x1  }
0x125: {  	s5 =	rddreg [dreg:$0xd]  }
0x126: {  	[tilespmem:s5], [sflag:$0x2] =	stream.indirect_vreg.gather [hbm4b:s1+s4], $0x80, v7, vm0, $0xb8;
	[tilespmem:$0x17400] =	vst v63  }
0x127: {  	s6 =	rddreg [dreg:$0xe]  }
0x128: {  	[tilespmem:s6], [sflag:$0x2] =	stream.indirect_vreg.gather [hbm4b:s1+s4], $0x80, v6, vm0, $0xb8;
	[tilespmem:$0x17400] =	vst v63  }
0x129: {  	v6 =	vld [tilespmem:s9+$0x61D0];
	_ =	sdelay $0x4  }
0x12a: {  	v7 =	vshll.u32 v6, $0x1  }
0x12b: {  	v6 =	vand.u32 $0x7, v6;
	v7 =	vand.u32 $0xFFFFFFF0, v7  }
0x12c: {  	v6 =	vor.u32 v6, v7  }
0x12d: {  	v7 =	vperm.xlane v6, v3;
	_ =	sdelay $0x1  }
0x12e: {  	v6 =	vperm.xlane v6, v5;
	v7 =	vadd.s32 v4, v7;
	_ =	sdelay $0x1  }
0x12f: {  	v6 =	vadd.s32 v4, v6;
	_ =	sdelay $0x1  }
0x130: {  	s5 =	rddreg [dreg:$0xf]  }
0x131: {  	[tilespmem:s5], [sflag:$0x2] =	stream.indirect_vreg.gather [hbm4b:s1+s4], $0x80, v7, vm0, $0xb8;
	[tilespmem:$0x17400] =	vst v63  }
0x132: {  	s6 =	rddreg [dreg:$0x10]  }
0x133: {  	[tilespmem:s6], [sflag:$0x2] =	stream.indirect_vreg.gather [hbm4b:s1+s4], $0x80, v6, vm0, $0xb8;
	[tilespmem:$0x17400] =	vst v63  }
0x134: {  	v6 =	vld [tilespmem:s9+$0x61E0];
	_ =	sdelay $0x4  }
0x135: {  	v7 =	vshll.u32 v6, $0x1  }
0x136: {  	v6 =	vand.u32 $0x7, v6;
	v7 =	vand.u32 $0xFFFFFFF0, v7  }
0x137: {  	v6 =	vor.u32 v6, v7  }
0x138: {  	v7 =	vperm.xlane v6, v3;
	_ =	sdelay $0x1  }
0x139: {  	v6 =	vperm.xlane v6, v5;
	v7 =	vadd.s32 v4, v7;
	_ =	sdelay $0x1  }
0x13a: {  	v6 =	vadd.s32 v4, v6;
	_ =	sdelay $0x1  }
0x13b: {  	s5 =	rddreg [dreg:$0x11]  }
0x13c: {  	[tilespmem:s5], [sflag:$0x2] =	stream.indirect_vreg.gather [hbm4b:s1+s4], $0x80, v7, vm0, $0xb8;
	[tilespmem:$0x17400] =	vst v63  }
0x13d: {  	s6 =	rddreg [dreg:$0x12]  }
0x13e: {  	[tilespmem:s6], [sflag:$0x2] =	stream.indirect_vreg.gather [hbm4b:s1+s4], $0x80, v6, vm0, $0xb8;
	[tilespmem:$0x17400] =	vst v63  }
0x13f: {  	v6 =	vld [tilespmem:s9+$0x61F0];
	_ =	sdelay $0x4  }
0x140: {  	v7 =	vshll.u32 v6, $0x1  }
0x141: {  	v6 =	vand.u32 $0x7, v6;
	v7 =	vand.u32 $0xFFFFFFF0, v7  }
0x142: {  	v6 =	vor.u32 v6, v7  }
0x143: {  	v7 =	vperm.xlane v6, v3;
	_ =	sdelay $0x1  }
0x144: {  	v6 =	vperm.xlane v6, v5;
	v7 =	vadd.s32 v4, v7;
	_ =	sdelay $0x1  }
0x145: {  	v6 =	vadd.s32 v4, v6;
	_ =	sdelay $0x1  }
0x146: {  	s6 =	rddreg [dreg:$0x13]  }
0x147: {  	[tilespmem:s6], [sflag:$0x2] =	stream.indirect_vreg.gather [hbm4b:s1+s4], $0x80, v7, vm0, $0xb8;
	[tilespmem:$0x17400] =	vst v63  }
0x148: {  	s9 =	rddreg [dreg:$0x14]  }
0x149: {  	[tilespmem:s9], [sflag:$0x2] =	stream.indirect_vreg.gather [hbm4b:s1+s4], $0x80, v6, vm0, $0xb8;
	[tilespmem:$0x17400] =	vst v63  }
0x14a: {  	_ = 	snop  }
0x14b: {  	[hbm4b:s7+s4] =	stream.linear.scatter [tilespmem:s11], [sflag:$0x3], $0x8000, $0x38;
	[tilespmem:$0x17400] =	vst v63  }
0x14c: {  	_ =	swait.ge [sflag:s8], $0x8000  }
0x14d: {  	[sflag:s8] =	ssyncset.done $0x0  }
0x14e: {  	[sflag:s8] =	ssyncadd.s32 $0xFFFF8000  }
0x14f: {  	s5 =	sadd.s32 $0xFFFFFFFF, s3;
	_ =	swait.ge [sflag:s29], $0x8000  }
0x150: {  	s0 =	smin.u32 s5, $0x22;
	[sflag:s29] =	ssyncset.done $0x0  }
0x151: {  	s6 =	sshll.u32 s0, $0x7;
	[sflag:s29] =	ssyncadd.s32 $0xFFFF8000  }
0x152: {  	v6 =	vld [tilespmem:s6+$0x6280];
	_ =	sdelay $0x4  }
0x153: {  	v7 =	vshll.u32 v6, $0x1  }
0x154: {  	v6 =	vand.u32 $0x7, v6;
	v7 =	vand.u32 $0xFFFFFFF0, v7  }
0x155: {  	v6 =	vor.u32 v6, v7  }
0x156: {  	v7 =	vperm.xlane v6, v3;
	_ =	sdelay $0x1  }
0x157: {  	v6 =	vperm.xlane v6, v5;
	v7 =	vadd.s32 v4, v7;
	_ =	sdelay $0x1  }
0x158: {  	v6 =	vadd.s32 v4, v6;
	_ =	sdelay $0x2  }
0x159: {  	[tilespmem:s11], [sflag:$0x1] =	stream.indirect_vreg.gather [hbm4b:s1+s4], $0x80, v7, vm0, $0xb8;
	[tilespmem:$0x17400] =	vst v63  }
0x15a: {  	_ = 	snop  }
0x15b: {  	[tilespmem:s12], [sflag:$0x1] =	stream.indirect_vreg.gather [hbm4b:s1+s4], $0x80, v6, vm0, $0xb8;
	[tilespmem:$0x17400] =	vst v63  }
0x15c: {  	v6 =	vld [tilespmem:s6+$0x6290];
	_ =	sdelay $0x4  }
0x15d: {  	v7 =	vshll.u32 v6, $0x1  }
0x15e: {  	v6 =	vand.u32 $0x7, v6;
	v7 =	vand.u32 $0xFFFFFFF0, v7  }
0x15f: {  	v6 =	vor.u32 v6, v7  }
0x160: {  	v7 =	vperm.xlane v6, v3;
	_ =	sdelay $0x1  }
0x161: {  	v6 =	vperm.xlane v6, v5;
	v7 =	vadd.s32 v4, v7;
	_ =	sdelay $0x1  }
0x162: {  	v6 =	vadd.s32 v4, v6;
	_ =	sdelay $0x2  }
0x163: {  	[tilespmem:s13], [sflag:$0x1] =	stream.indirect_vreg.gather [hbm4b:s1+s4], $0x80, v7, vm0, $0xb8;
	[tilespmem:$0x17400] =	vst v63  }
0x164: {  	_ = 	snop  }
0x165: {  	[tilespmem:s14], [sflag:$0x1] =	stream.indirect_vreg.gather [hbm4b:s1+s4], $0x80, v6, vm0, $0xb8;
	[tilespmem:$0x17400] =	vst v63  }
0x166: {  	v6 =	vld [tilespmem:s6+$0x62A0];
	_ =	sdelay $0x4  }
0x167: {  	v7 =	vshll.u32 v6, $0x1  }
0x168: {  	v6 =	vand.u32 $0x7, v6;
	v7 =	vand.u32 $0xFFFFFFF0, v7  }
0x169: {  	v6 =	vor.u32 v6, v7  }
0x16a: {  	v7 =	vperm.xlane v6, v3;
	_ =	sdelay $0x1  }
0x16b: {  	v6 =	vperm.xlane v6, v5;
	v7 =	vadd.s32 v4, v7;
	_ =	sdelay $0x1  }
0x16c: {  	v6 =	vadd.s32 v4, v6;
	_ =	sdelay $0x2  }
0x16d: {  	[tilespmem:s15], [sflag:$0x1] =	stream.indirect_vreg.gather [hbm4b:s1+s4], $0x80, v7, vm0, $0xb8;
	[tilespmem:$0x17400] =	vst v63  }
0x16e: {  	_ = 	snop  }
0x16f: {  	[tilespmem:s16], [sflag:$0x1] =	stream.indirect_vreg.gather [hbm4b:s1+s4], $0x80, v6, vm0, $0xb8;
	[tilespmem:$0x17400] =	vst v63  }
0x170: {  	v6 =	vld [tilespmem:s6+$0x62B0];
	_ =	sdelay $0x4  }
0x171: {  	v7 =	vshll.u32 v6, $0x1  }
0x172: {  	v6 =	vand.u32 $0x7, v6;
	v7 =	vand.u32 $0xFFFFFFF0, v7  }
0x173: {  	v6 =	vor.u32 v6, v7  }
0x174: {  	v7 =	vperm.xlane v6, v3;
	_ =	sdelay $0x1  }
0x175: {  	v6 =	vperm.xlane v6, v5;
	v7 =	vadd.s32 v4, v7;
	_ =	sdelay $0x1  }
0x176: {  	v6 =	vadd.s32 v4, v6;
	_ =	sdelay $0x2  }
0x177: {  	[tilespmem:s17], [sflag:$0x1] =	stream.indirect_vreg.gather [hbm4b:s1+s4], $0x80, v7, vm0, $0xb8;
	[tilespmem:$0x17400] =	vst v63  }
0x178: {  	_ = 	snop  }
0x179: {  	[tilespmem:s18], [sflag:$0x1] =	stream.indirect_vreg.gather [hbm4b:s1+s4], $0x80, v6, vm0, $0xb8;
	[tilespmem:$0x17400] =	vst v63  }
0x17a: {  	v6 =	vld [tilespmem:s6+$0x62C0];
	_ =	sdelay $0x4  }
0x17b: {  	v7 =	vshll.u32 v6, $0x1  }
0x17c: {  	v6 =	vand.u32 $0x7, v6;
	v7 =	vand.u32 $0xFFFFFFF0, v7  }
0x17d: {  	v6 =	vor.u32 v6, v7  }
0x17e: {  	v7 =	vperm.xlane v6, v3;
	_ =	sdelay $0x1  }
0x17f: {  	v6 =	vperm.xlane v6, v5;
	v7 =	vadd.s32 v4, v7;
	_ =	sdelay $0x1  }
0x180: {  	v6 =	vadd.s32 v4, v6;
	_ =	sdelay $0x2  }
0x181: {  	[tilespmem:s19], [sflag:$0x1] =	stream.indirect_vreg.gather [hbm4b:s1+s4], $0x80, v7, vm0, $0xb8;
	[tilespmem:$0x17400] =	vst v63  }
0x182: {  	_ = 	snop  }
0x183: {  	[tilespmem:s20], [sflag:$0x1] =	stream.indirect_vreg.gather [hbm4b:s1+s4], $0x80, v6, vm0, $0xb8;
	[tilespmem:$0x17400] =	vst v63  }
0x184: {  	v6 =	vld [tilespmem:s6+$0x62D0];
	_ =	sdelay $0x4  }
0x185: {  	v7 =	vshll.u32 v6, $0x1  }
0x186: {  	v6 =	vand.u32 $0x7, v6;
	v7 =	vand.u32 $0xFFFFFFF0, v7  }
0x187: {  	v6 =	vor.u32 v6, v7  }
0x188: {  	v7 =	vperm.xlane v6, v3;
	_ =	sdelay $0x1  }
0x189: {  	v6 =	vperm.xlane v6, v5;
	v7 =	vadd.s32 v4, v7;
	_ =	sdelay $0x1  }
0x18a: {  	v6 =	vadd.s32 v4, v6;
	_ =	sdelay $0x2  }
0x18b: {  	[tilespmem:s21], [sflag:$0x1] =	stream.indirect_vreg.gather [hbm4b:s1+s4], $0x80, v7, vm0, $0xb8;
	[tilespmem:$0x17400] =	vst v63  }
0x18c: {  	_ = 	snop  }
0x18d: {  	[tilespmem:s22], [sflag:$0x1] =	stream.indirect_vreg.gather [hbm4b:s1+s4], $0x80, v6, vm0, $0xb8;
	[tilespmem:$0x17400] =	vst v63  }
0x18e: {  	v6 =	vld [tilespmem:s6+$0x62E0];
	_ =	sdelay $0x4  }
0x18f: {  	v7 =	vshll.u32 v6, $0x1  }
0x190: {  	v6 =	vand.u32 $0x7, v6;
	v7 =	vand.u32 $0xFFFFFFF0, v7  }
0x191: {  	v6 =	vor.u32 v6, v7  }
0x192: {  	v7 =	vperm.xlane v6, v3;
	_ =	sdelay $0x1  }
0x193: {  	v6 =	vperm.xlane v6, v5;
	v7 =	vadd.s32 v4, v7;
	_ =	sdelay $0x1  }
0x194: {  	v6 =	vadd.s32 v4, v6;
	_ =	sdelay $0x2  }
0x195: {  	[tilespmem:s23], [sflag:$0x1] =	stream.indirect_vreg.gather [hbm4b:s1+s4], $0x80, v7, vm0, $0xb8;
	[tilespmem:$0x17400] =	vst v63  }
0x196: {  	_ = 	snop  }
0x197: {  	[tilespmem:s24], [sflag:$0x1] =	stream.indirect_vreg.gather [hbm4b:s1+s4], $0x80, v6, vm0, $0xb8;
	[tilespmem:$0x17400] =	vst v63  }
0x198: {  	v6 =	vld [tilespmem:s6+$0x62F0];
	_ =	sdelay $0x4  }
0x199: {  	v7 =	vshll.u32 v6, $0x1  }
0x19a: {  	v6 =	vand.u32 $0x7, v6;
	v7 =	vand.u32 $0xFFFFFFF0, v7  }
0x19b: {  	v6 =	vor.u32 v6, v7  }
0x19c: {  	v7 =	vperm.xlane v6, v3;
	_ =	sdelay $0x1  }
0x19d: {  	v6 =	vperm.xlane v6, v5;
	v7 =	vadd.s32 v4, v7;
	_ =	sdelay $0x1  }
0x19e: {  	v6 =	vadd.s32 v4, v6;
	_ =	sdelay $0x2  }
0x19f: {  	[tilespmem:s25], [sflag:$0x1] =	stream.indirect_vreg.gather [hbm4b:s1+s4], $0x80, v7, vm0, $0xb8;
	[tilespmem:$0x17400] =	vst v63  }
0x1a0: {  	s2 =	sshll.u32 s2, $0xC;
	s9 =	rddreg [dreg:$0x5]  }
0x1a1: {  	[tilespmem:s26], [sflag:$0x1] =	stream.indirect_vreg.gather [hbm4b:s1+s4], $0x80, v6, vm0, $0xb8;
	[tilespmem:$0x17400] =	vst v63  }
0x1a2: {  	s0 =	sadd.s32 s2, s9  }
0x1a3: {  	[hbm4b:s0+s4] =	stream.linear.scatter [tilespmem:s28], [sflag:$0x3], $0x8000, $0x38;
	[tilespmem:$0x17400] =	vst v63  }
0x1a4: {  	p0 =	sne.s32 s3, $0x25;
	_ =	swait.ge [sflag:s8], $0x8000  }
.Ltmp2:
0x1a5: {  	[sflag:s8] =	ssyncset.done $0x0;
	(pc) =	sbr.rel @p0 .LBB2_6-.Ltmp2, $4  }
0x1a6: {  	[sflag:s8] =	ssyncadd.s32 $0xFFFF8000  }
0x1a7: {  	_ =	swait.ge [sflag:s30], $0x8000  }
0x1a8: {  	[sflag:s30] =	ssyncset.done $0x0  }
0x1a9: {  	s3 =	sadd.s32 $0x2, s3;
	s7 =	sadd.s32 $0x2000, s7;
	[sflag:s30] =	ssyncadd.s32 $0xFFFF8000  }
0x1aa: {  	s31 =	sadd.s32 $0x1, s31;
	s0 =	rddreg [dreg:$0x16]  }
0x1ab: {  	p0 =	sne.s32 s31, s0  }
.Ltmp3:
0x1ac: {  	_ = 	snop;
	(pc) =	sbr.rel @p0 .LBB2_1-.Ltmp3, $1  }
0x1ad: {  	_ =	sdelay $0x3  }
0x1ae: {  	_ =	sfence.sel $0x180000  }
0x1af: {  	[bflag:$0x0] =	sbarrier.arrive $0xFFFF  }
0x1b0: {  	_ =	strace $0x90000047  }
0x1b1: {  	s0 =	stileid.u32;
	[bflag:$0x2] =	sbarrier.arrive $0xFFFF  }
0x1b2: {  	p0 =	sne.s32 s0, $0x0;
	s0 =	rddreg [dreg:$0x4]  }
0x1b3: {  	s0 =	sadd.s32 @!p0 $0x100000, s0  }
0x1b4: {  	[sflag:s0] =	ssyncadd.tile.s32 @!p0 $0x1;
	_ =	shalt  }
.Lfunc_end2:
_tile_overlayer_lowered:
.L_overlay_start_2:
0x1b5: {  	(tag) =	ssettag $0x2  }
0x1b6: {  	s0 =	rddreg [dreg:$0x0];
	s2 =	stileid.u32  }
0x1b7: {  	s1 =	rddreg [dreg:$0x1];
	p0 =	sne.s32 s2, $0x0  }
0x1b8: {  	s3 =	rddreg [dreg:$0x2];
	[bflag:$0x3] =	sbarrier.arrive $0xFFFF;
	s2 =	simm.s32 @!p0 $0x1C03  }
0x1b9: {  	[timem:s3], [sflag:s2] =	dma.local @!p0 [hbm:s0], s1  }
0x1ba: {  	s0 =	simm.s32 @!p0 $0x3  }
0x1bb: {  	_ =	swait.ge @!p0 [sflag:s0], s1  }
0x1bc: {  	s1 =	ssub.s32 @!p0 $0x0, s1;
	[sflag:s0] =	ssyncset.done @!p0 $0x0  }
0x1bd: {  	[sflag:s0] =	ssyncadd.s32 @!p0 s1  }
0x1be: {  	[bflag:$0x3] =	sbarrier.arrive $0xFFFF  }
0x1bf: {  	_ =	shalt  }

</sc_bundles>
